<compile_context>
chip_gen: v7x
topology: tpu7x:2x2x1
jax: 0.10.2.dev20260603
libtpu: 0.0.44.dev20260713+nightly
codegen_flags: <defaults>
</compile_context>

<pallas_src>
import functools

import jax
import jax.numpy as jnp
from jax import lax
from jax.experimental import pallas as pl
from jax.experimental.pallas import tpu as pltpu
from jax.experimental.pallas import tpu_sc as plsc

B, K, D = 8, 2048, 256
RB = 1024
NBLK = K // RB
R = B * K
NW = 32
RPW = R // NW
HALF = R // 2
CH = 128
NCH = RPW // CH
NBUF = 3


def _fused_kernel(adj_ref, tri_ref, rev_ref, sidx_ref, lidx_ref, deg_scr,
                  deg_scr_t):
    s = pl.program_id(0)
    t = pl.program_id(1)

    @pl.when(s < B)
    def _deg():
        x = adj_ref[0]
        acc = x[:, 0:128]
        for c in range(1, 16):
            acc = acc + x[:, c * 128:(c + 1) * 128]
        tr = acc.T
        g = tr[0:8, :]
        for u in range(1, 16):
            g = g + tr[u * 8:(u + 1) * 8, :]
        e04 = g[0:1, :] + g[4:5, :]
        e26 = g[2:3, :] + g[6:7, :]
        e15 = g[1:2, :] + g[5:6, :]
        e37 = g[3:4, :] + g[7:8, :]
        tot = (e04 + e26) + (e15 + e37)
        deg_scr[s % 2, pl.ds(t * RB, RB)] = tot[0]
        deg_scr_t[s % 2, pl.ds(t * RB, RB), 0] = tot.T[:, 0]

    @pl.when(s > 0)
    def _rank():
        row = (s - 1) % 2
        dA = deg_scr[row, 0:RB][None, :]
        dB = deg_scr[row, RB:K][None, :]
        di = deg_scr_t[row, pl.ds(t * RB, RB), :]
        tri = tri_ref[0]

        ones = jnp.ones((RB, 1), jnp.float32)

        def _emit(mA, mB):
            rank = (jnp.dot(mA, ones, preferred_element_type=jnp.float32)
                    + jnp.dot(mB, ones, preferred_element_type=jnp.float32)
                    ).astype(jnp.int32)[:, 0]
            rev_ref[0, :, 0] = rank
            sidx_ref[0, :, 0] = rank + (s - 1) * K
            lidx_ref[0, :, 0] = rank + lax.rem(s - 1, 4) * K

        @pl.when(t == 0)
        def _():
            _emit(jnp.where(dA == di, tri, (dA > di).astype(jnp.float32)),
                  (dB > di).astype(jnp.float32))

        @pl.when(t == 1)
        def _():
            _emit((dA >= di).astype(jnp.float32),
                  jnp.where(dB == di, tri, (dB > di).astype(jnp.float32)))


@functools.lru_cache(maxsize=1)
def _make_sc_scatter():
    @functools.partial(
        pl.kernel,
        mesh=plsc.VectorSubcoreMesh(core_axis_name="c", subcore_axis_name="s",
                                    num_cores=2, num_subcores=16),
        out_type=[
            jax.ShapeDtypeStruct((R,), jnp.int32),
            jax.ShapeDtypeStruct((R, D), jnp.float32),
        ],
        scratch_types=[
            pltpu.VMEM((NCH, CH), jnp.int32),
            pltpu.VMEM((NCH, CH), jnp.int32),
            pltpu.VMEM((NCH, CH), jnp.int32),
            pltpu.VMEM((RPW,), jnp.int32),
            pltpu.VMEM_SHARED((HALF,), jnp.int32),
            pltpu.VMEM((CH, D), jnp.float32),
            pltpu.VMEM((CH, D), jnp.float32),
            pltpu.VMEM((CH, D), jnp.float32),
            pltpu.SemaphoreType.DMA,
            pltpu.SemaphoreType.DMA,
            pltpu.SemaphoreType.DMA,
        ],
    )
    def _sc_scatter(slots_hbm, sidx_hbm, lidx_hbm, rowid_hbm,
                    order_hbm, ordered_hbm,
                    idx_v, lidx_v, val_v, oslice_v, order_sh,
                    b0, b1, b2, sem_i, sem_l, sem_s):
        cid = lax.axis_index("c")
        sid = lax.axis_index("s")
        wid = cid * 16 + sid
        base = wid * RPW
        bufs = (b0, b1, b2)
        loads = [None] * NCH
        scats = [None] * NCH
        for j in range(min(NBUF, NCH)):
            loads[j] = pltpu.async_copy(
                slots_hbm.at[pl.ds(base + j * CH, CH)], bufs[j % NBUF], sem_l)
        ci = pltpu.async_copy(sidx_hbm.at[wid], idx_v, sem_i)
        cl = pltpu.async_copy(lidx_hbm.at[wid], lidx_v, sem_i)
        cv = pltpu.async_copy(rowid_hbm.at[wid], val_v, sem_i)
        ci.wait()
        cl.wait()
        cv.wait()
        for j in range(NCH):
            pltpu.sync_copy(val_v.at[j], order_sh.at[lidx_v.at[j]])
        for j in range(NCH):
            loads[j].wait()
            scats[j] = pltpu.async_copy(
                bufs[j % NBUF], ordered_hbm.at[idx_v.at[j]], sem_s)
            nj = j + NBUF
            if nj < NCH:
                scats[nj - NBUF].wait()
                loads[nj] = pltpu.async_copy(
                    slots_hbm.at[pl.ds(base + nj * CH, CH)], bufs[nj % NBUF],
                    sem_l)
        plsc.subcore_barrier()
        pltpu.sync_copy(order_sh.at[pl.ds(sid * RPW, RPW)], oslice_v)
        pltpu.sync_copy(oslice_v, order_hbm.at[pl.ds(base, RPW)])
        for j in range(NCH):
            if scats[j] is not None and (j + NBUF >= NCH):
                scats[j].wait()

    return _sc_scatter


@functools.lru_cache(maxsize=1)
def _tri():
    return jax.device_put(jnp.tril(jnp.ones((RB, RB), jnp.float32), -1)
                          .reshape(1, RB, RB))


def kernel(slots, adj):
    rev, sidx, lidx = pl.pallas_call(
        _fused_kernel,
        grid=(B + 1, NBLK),
        in_specs=[
            pl.BlockSpec(
                (1, RB, K),
                lambda s, t: (jnp.where(s < B, s, B - 1),
                              jnp.where(s < B, t, NBLK - 1), 0)),
            pl.BlockSpec((1, RB, RB), lambda s, t: (0, 0, 0)),
        ],
        out_specs=[
            pl.BlockSpec((1, RB, 1), lambda s, t: (s * NBLK + t, 0, 0)),
            pl.BlockSpec((1, RB, 1), lambda s, t: (s * NBLK + t, 0, 0)),
            pl.BlockSpec((1, RB, 1), lambda s, t: (s * NBLK + t, 0, 0)),
        ],
        out_shape=[
            jax.ShapeDtypeStruct(((B + 1) * NBLK, RB, 1), jnp.int32),
            jax.ShapeDtypeStruct(((B + 1) * NBLK, RB, 1), jnp.int32),
            jax.ShapeDtypeStruct(((B + 1) * NBLK, RB, 1), jnp.int32),
        ],
        scratch_shapes=[pltpu.VMEM((2, K), jnp.float32),
                        pltpu.VMEM((2, K, 1), jnp.float32)],
    )(adj, _tri())
    rev = rev[NBLK:]
    sidx = sidx[NBLK:]
    lidx = lidx[NBLK:]

    slots_flat = slots.reshape(R, D)
    sidx3 = sidx.reshape(NW, NCH, CH)
    lidx3 = lidx.reshape(NW, NCH, CH)
    rowid = jnp.tile(jnp.arange(K, dtype=jnp.int32), B).reshape(NW, NCH, CH)

    order_flat, ordered_flat = _make_sc_scatter()(
        slots_flat, sidx3, lidx3, rowid)

    return (ordered_flat.reshape(B, K, D),
            order_flat.reshape(B, K),
            rev.reshape(B, K))

# --- scband reference (transcript-rebuilt; emitter-appended) ---
"""Pipeline reference for scband-graph-sequence-orderer-18837726560373 (READ-ONLY COPY).

The authoritative reference and input builder live on the scoring server;
editing this copy changes nothing except your own understanding.
"""

import jax, jax.numpy as jnp
import numpy as np

def setup_inputs(seed: int = 0) -> dict:
    key = jax.random.key(seed)
    k1, k2 = jax.random.split(key)
    slots = jax.random.normal(k1, (8, 2048, 256), dtype=jnp.float32)
    adj = jax.random.uniform(k2, (8, 2048, 2048), dtype=jnp.float32)
    return {"slots": slots, "adj": adj}

def reference(slots, adj):
    # strategy='degree' (also the eval-mode path of 'hybrid'):
    # sort nodes by degree, descending.
    degrees = adj.sum(axis=-1)                      # [B, K]
    order = jnp.argsort(-degrees, axis=-1)          # descending sort -> [B, K]
    # batched gather: slots[batch_idx, order]
    ordered_slots = jnp.take_along_axis(slots, order[:, :, None], axis=1)  # [B, K, D]
    reverse_order = jnp.argsort(order, axis=-1)     # inverse permutation [B, K]
    return (ordered_slots, order, reverse_order)

if __name__ == "__main__":
    import jax
    _d = setup_inputs()
    print(jax.jit(kernel)(*tuple(_d.values())))

</pallas_src>

<mosaic_0001>
#map = affine_map<(d0, d1) -> (0, 0)>
#map1 = affine_map<(d0, d1) -> (0, 0, 0)>
#map2 = affine_map<(d0, d1) -> (0)>
module attributes {stable_mosaic.version = 14 : i64} {
  func.func @_sc_scatter(%arg0: i32, %arg1: i32, %arg2: memref<16384x256xf32, #tpu.memory_space<hbm>>, %arg3: memref<32x4x128xi32, #tpu.memory_space<hbm>>, %arg4: memref<32x4x128xi32, #tpu.memory_space<hbm>>, %arg5: memref<32x4x128xi32, #tpu.memory_space<hbm>>, %arg6: memref<16384xi32, #tpu.memory_space<hbm>>, %arg7: memref<16384x256xf32, #tpu.memory_space<hbm>>, %arg8: memref<4x128xi32, #tpu.memory_space<vmem>>, %arg9: memref<4x128xi32, #tpu.memory_space<vmem>>, %arg10: memref<4x128xi32, #tpu.memory_space<vmem>>, %arg11: memref<512xi32, #tpu.memory_space<vmem>>, %arg12: memref<8192xi32, #tpu.memory_space<vmem_shared>>, %arg13: memref<128x256xf32, #tpu.memory_space<vmem>>, %arg14: memref<128x256xf32, #tpu.memory_space<vmem>>, %arg15: memref<128x256xf32, #tpu.memory_space<vmem>>, %arg16: memref<!tpu.dma_semaphore, #tpu.memory_space<semaphore_mem>>, %arg17: memref<!tpu.dma_semaphore, #tpu.memory_space<semaphore_mem>>, %arg18: memref<!tpu.dma_semaphore, #tpu.memory_space<semaphore_mem>>) attributes {dimension_semantics = [#tpu.dimension_semantics<core_parallel>, #tpu.dimension_semantics<subcore_parallel>], iteration_bounds = array<i64: 2, 16>, scalar_prefetch = 0 : i64, scratch_operands = 11 : i64, tpu.core_type = #tpu.core_type<sc_vector_subcore>, window_params = [{transform_indices = #map}, {transform_indices = #map1}, {transform_indices = #map1}, {transform_indices = #map1}, {transform_indices = #map2}, {transform_indices = #map}]} {
    %mul3A = arith.constant 16 : i32
    %mul3A_0 = arith.muli %arg0, %mul3A : i32
    %add3A = arith.addi %mul3A_0, %arg1 : i32
    %mul3A_1 = arith.constant 512 : i32
    %mul3A_2 = arith.muli %add3A, %mul3A_1 : i32
    %add3A_3 = arith.constant 0 : i32
    %add3A_4 = arith.addi %mul3A_2, %add3A_3 : i32
    %dma_start3A = arith.constant 0 : i32
    %dma_start3A_5 = tpu.memref_slice %arg2[%add3A_4, %dma_start3A] : memref<16384x256xf32, #tpu.memory_space<hbm>> -> memref<128x256xf32, #tpu.memory_space<hbm>>
    %dma_start3A_6 = arith.constant 0 : i32
    %dma_start3A_7 = tpu.memref_slice %arg2[%add3A_4, %dma_start3A_6] : memref<16384x256xf32, #tpu.memory_space<hbm>> -> memref<128x256xf32, #tpu.memory_space<hbm>>
    tpu.enqueue_dma source(%dma_start3A_7 : memref<128x256xf32, #tpu.memory_space<hbm>>) target(%arg13 : memref<128x256xf32, #tpu.memory_space<vmem>>) target_semaphore(%arg17 : memref<!tpu.dma_semaphore, #tpu.memory_space<semaphore_mem>>)
    %add3A_8 = arith.constant 128 : i32
    %add3A_9 = arith.addi %mul3A_2, %add3A_8 : i32
    %dma_start3A_10 = arith.constant 0 : i32
    %dma_start3A_11 = tpu.memref_slice %arg2[%add3A_9, %dma_start3A_10] : memref<16384x256xf32, #tpu.memory_space<hbm>> -> memref<128x256xf32, #tpu.memory_space<hbm>>
    %dma_start3A_12 = arith.constant 0 : i32
    %dma_start3A_13 = tpu.memref_slice %arg2[%add3A_9, %dma_start3A_12] : memref<16384x256xf32, #tpu.memory_space<hbm>> -> memref<128x256xf32, #tpu.memory_space<hbm>>
    tpu.enqueue_dma source(%dma_start3A_13 : memref<128x256xf32, #tpu.memory_space<hbm>>) target(%arg14 : memref<128x256xf32, #tpu.memory_space<vmem>>) target_semaphore(%arg17 : memref<!tpu.dma_semaphore, #tpu.memory_space<semaphore_mem>>)
    %add3A_14 = arith.constant 256 : i32
    %add3A_15 = arith.addi %mul3A_2, %add3A_14 : i32
    %dma_start3A_16 = arith.constant 0 : i32
    %dma_start3A_17 = tpu.memref_slice %arg2[%add3A_15, %dma_start3A_16] : memref<16384x256xf32, #tpu.memory_space<hbm>> -> memref<128x256xf32, #tpu.memory_space<hbm>>
    %dma_start3A_18 = arith.constant 0 : i32
    %dma_start3A_19 = tpu.memref_slice %arg2[%add3A_15, %dma_start3A_18] : memref<16384x256xf32, #tpu.memory_space<hbm>> -> memref<128x256xf32, #tpu.memory_space<hbm>>
    tpu.enqueue_dma source(%dma_start3A_19 : memref<128x256xf32, #tpu.memory_space<hbm>>) target(%arg15 : memref<128x256xf32, #tpu.memory_space<vmem>>) target_semaphore(%arg17 : memref<!tpu.dma_semaphore, #tpu.memory_space<semaphore_mem>>)
    %dma_start3A_20 = arith.constant 0 : i32
    %dma_start3A_21 = arith.constant 0 : i32
    %dma_start3A_22 = tpu.memref_slice %arg3[%add3A, %dma_start3A_20, %dma_start3A_21] : memref<32x4x128xi32, #tpu.memory_space<hbm>> -> memref<1x4x128xi32, #tpu.memory_space<hbm>>
    %dma_start3A_23 = tpu.memref_squeeze %dma_start3A_22 : memref<1x4x128xi32, #tpu.memory_space<hbm>> -> memref<4x128xi32, #tpu.memory_space<hbm>>
    %dma_start3A_24 = arith.constant 0 : i32
    %dma_start3A_25 = arith.constant 0 : i32
    %dma_start3A_26 = tpu.memref_slice %arg3[%add3A, %dma_start3A_24, %dma_start3A_25] : memref<32x4x128xi32, #tpu.memory_space<hbm>> -> memref<1x4x128xi32, #tpu.memory_space<hbm>>
    %dma_start3A_27 = tpu.memref_squeeze %dma_start3A_26 : memref<1x4x128xi32, #tpu.memory_space<hbm>> -> memref<4x128xi32, #tpu.memory_space<hbm>>
    tpu.enqueue_dma source(%dma_start3A_27 : memref<4x128xi32, #tpu.memory_space<hbm>>) target(%arg8 : memref<4x128xi32, #tpu.memory_space<vmem>>) target_semaphore(%arg16 : memref<!tpu.dma_semaphore, #tpu.memory_space<semaphore_mem>>)
    %dma_start3A_28 = arith.constant 0 : i32
    %dma_start3A_29 = arith.constant 0 : i32
    %dma_start3A_30 = tpu.memref_slice %arg4[%add3A, %dma_start3A_28, %dma_start3A_29] : memref<32x4x128xi32, #tpu.memory_space<hbm>> -> memref<1x4x128xi32, #tpu.memory_space<hbm>>
    %dma_start3A_31 = tpu.memref_squeeze %dma_start3A_30 : memref<1x4x128xi32, #tpu.memory_space<hbm>> -> memref<4x128xi32, #tpu.memory_space<hbm>>
    %dma_start3A_32 = arith.constant 0 : i32
    %dma_start3A_33 = arith.constant 0 : i32
    %dma_start3A_34 = tpu.memref_slice %arg4[%add3A, %dma_start3A_32, %dma_start3A_33] : memref<32x4x128xi32, #tpu.memory_space<hbm>> -> memref<1x4x128xi32, #tpu.memory_space<hbm>>
    %dma_start3A_35 = tpu.memref_squeeze %dma_start3A_34 : memref<1x4x128xi32, #tpu.memory_space<hbm>> -> memref<4x128xi32, #tpu.memory_space<hbm>>
    tpu.enqueue_dma source(%dma_start3A_35 : memref<4x128xi32, #tpu.memory_space<hbm>>) target(%arg9 : memref<4x128xi32, #tpu.memory_space<vmem>>) target_semaphore(%arg16 : memref<!tpu.dma_semaphore, #tpu.memory_space<semaphore_mem>>)
    %dma_start3A_36 = arith.constant 0 : i32
    %dma_start3A_37 = arith.constant 0 : i32
    %dma_start3A_38 = tpu.memref_slice %arg5[%add3A, %dma_start3A_36, %dma_start3A_37] : memref<32x4x128xi32, #tpu.memory_space<hbm>> -> memref<1x4x128xi32, #tpu.memory_space<hbm>>
    %dma_start3A_39 = tpu.memref_squeeze %dma_start3A_38 : memref<1x4x128xi32, #tpu.memory_space<hbm>> -> memref<4x128xi32, #tpu.memory_space<hbm>>
    %dma_start3A_40 = arith.constant 0 : i32
    %dma_start3A_41 = arith.constant 0 : i32
    %dma_start3A_42 = tpu.memref_slice %arg5[%add3A, %dma_start3A_40, %dma_start3A_41] : memref<32x4x128xi32, #tpu.memory_space<hbm>> -> memref<1x4x128xi32, #tpu.memory_space<hbm>>
    %dma_start3A_43 = tpu.memref_squeeze %dma_start3A_42 : memref<1x4x128xi32, #tpu.memory_space<hbm>> -> memref<4x128xi32, #tpu.memory_space<hbm>>
    tpu.enqueue_dma source(%dma_start3A_43 : memref<4x128xi32, #tpu.memory_space<hbm>>) target(%arg10 : memref<4x128xi32, #tpu.memory_space<vmem>>) target_semaphore(%arg16 : memref<!tpu.dma_semaphore, #tpu.memory_space<semaphore_mem>>)
    %dma_wait3A = arith.constant 0 : i32
    %dma_wait3A_44 = arith.constant 0 : i32
    %dma_wait3A_45 = tpu.memref_slice %arg3[%add3A, %dma_wait3A, %dma_wait3A_44] : memref<32x4x128xi32, #tpu.memory_space<hbm>> -> memref<1x4x128xi32, #tpu.memory_space<hbm>>
    %dma_wait3A_46 = tpu.memref_squeeze %dma_wait3A_45 : memref<1x4x128xi32, #tpu.memory_space<hbm>> -> memref<4x128xi32, #tpu.memory_space<hbm>>
    %dma_wait3A_47 = arith.constant 0 : i32
    %dma_wait3A_48 = arith.constant 0 : i32
    %dma_wait3A_49 = tpu.memref_slice %arg3[%add3A, %dma_wait3A_47, %dma_wait3A_48] : memref<32x4x128xi32, #tpu.memory_space<hbm>> -> memref<1x4x128xi32, #tpu.memory_space<hbm>>
    %dma_wait3A_50 = tpu.memref_squeeze %dma_wait3A_49 : memref<1x4x128xi32, #tpu.memory_space<hbm>> -> memref<4x128xi32, #tpu.memory_space<hbm>>
    tpu.wait_dma2 semaphore(%arg16 : memref<!tpu.dma_semaphore, #tpu.memory_space<semaphore_mem>>) src(%dma_wait3A_50 : memref<4x128xi32, #tpu.memory_space<hbm>>) dst(%arg8 : memref<4x128xi32, #tpu.memory_space<vmem>>)
    %dma_wait3A_51 = arith.constant 0 : i32
    %dma_wait3A_52 = arith.constant 0 : i32
    %dma_wait3A_53 = tpu.memref_slice %arg4[%add3A, %dma_wait3A_51, %dma_wait3A_52] : memref<32x4x128xi32, #tpu.memory_space<hbm>> -> memref<1x4x128xi32, #tpu.memory_space<hbm>>
    %dma_wait3A_54 = tpu.memref_squeeze %dma_wait3A_53 : memref<1x4x128xi32, #tpu.memory_space<hbm>> -> memref<4x128xi32, #tpu.memory_space<hbm>>
    %dma_wait3A_55 = arith.constant 0 : i32
    %dma_wait3A_56 = arith.constant 0 : i32
    %dma_wait3A_57 = tpu.memref_slice %arg4[%add3A, %dma_wait3A_55, %dma_wait3A_56] : memref<32x4x128xi32, #tpu.memory_space<hbm>> -> memref<1x4x128xi32, #tpu.memory_space<hbm>>
    %dma_wait3A_58 = tpu.memref_squeeze %dma_wait3A_57 : memref<1x4x128xi32, #tpu.memory_space<hbm>> -> memref<4x128xi32, #tpu.memory_space<hbm>>
    tpu.wait_dma2 semaphore(%arg16 : memref<!tpu.dma_semaphore, #tpu.memory_space<semaphore_mem>>) src(%dma_wait3A_58 : memref<4x128xi32, #tpu.memory_space<hbm>>) dst(%arg9 : memref<4x128xi32, #tpu.memory_space<vmem>>)
    %dma_wait3A_59 = arith.constant 0 : i32
    %dma_wait3A_60 = arith.constant 0 : i32
    %dma_wait3A_61 = tpu.memref_slice %arg5[%add3A, %dma_wait3A_59, %dma_wait3A_60] : memref<32x4x128xi32, #tpu.memory_space<hbm>> -> memref<1x4x128xi32, #tpu.memory_space<hbm>>
    %dma_wait3A_62 = tpu.memref_squeeze %dma_wait3A_61 : memref<1x4x128xi32, #tpu.memory_space<hbm>> -> memref<4x128xi32, #tpu.memory_space<hbm>>
    %dma_wait3A_63 = arith.constant 0 : i32
    %dma_wait3A_64 = arith.constant 0 : i32
    %dma_wait3A_65 = tpu.memref_slice %arg5[%add3A, %dma_wait3A_63, %dma_wait3A_64] : memref<32x4x128xi32, #tpu.memory_space<hbm>> -> memref<1x4x128xi32, #tpu.memory_space<hbm>>
    %dma_wait3A_66 = tpu.memref_squeeze %dma_wait3A_65 : memref<1x4x128xi32, #tpu.memory_space<hbm>> -> memref<4x128xi32, #tpu.memory_space<hbm>>
    tpu.wait_dma2 semaphore(%arg16 : memref<!tpu.dma_semaphore, #tpu.memory_space<semaphore_mem>>) src(%dma_wait3A_66 : memref<4x128xi32, #tpu.memory_space<hbm>>) dst(%arg10 : memref<4x128xi32, #tpu.memory_space<vmem>>)
    %run_scoped3A = arith.constant 0 : i32
    %run_scoped3A_67 = arith.constant 0 : i32
    "tpu.region"() ({
      %run_scoped3A_154 = tpu.sem_alloc : memref<!tpu.dma_semaphore, #tpu.memory_space<semaphore_mem>>
      %dma_start3A_155 = arith.constant 0 : i32
      %dma_start3A_156 = tpu.memref_slice %arg10[%run_scoped3A, %dma_start3A_155] : memref<4x128xi32, #tpu.memory_space<vmem>> -> memref<1x128xi32, #tpu.memory_space<vmem>>
      %dma_start3A_157 = tpu.memref_squeeze %dma_start3A_156 : memref<1x128xi32, #tpu.memory_space<vmem>> -> memref<128xi32, #tpu.memory_space<vmem>>
      %dma_start3A_158 = arith.constant 0 : i32
      %dma_start3A_159 = tpu.memref_slice %arg9[%run_scoped3A_67, %dma_start3A_158] : memref<4x128xi32, #tpu.memory_space<vmem>> -> memref<1x128xi32, #tpu.memory_space<vmem>>
      %dma_start3A_160 = tpu.memref_squeeze %dma_start3A_159 : memref<1x128xi32, #tpu.memory_space<vmem>> -> memref<128xi32, #tpu.memory_space<vmem>>
      %dma_start3A_161 = arith.constant 0 : i32
      %dma_start3A_162 = tpu.memref_slice %arg12[%dma_start3A_161] : memref<8192xi32, #tpu.memory_space<vmem_shared>> -> memref<8192xi32, #tpu.memory_space<vmem_shared>>
      tpu.enqueue_indirect_dma source(%dma_start3A_157 : memref<128xi32, #tpu.memory_space<vmem>>) target(%dma_start3A_162 : memref<8192xi32, #tpu.memory_space<vmem_shared>>) offsets(%dma_start3A_160 : memref<128xi32, #tpu.memory_space<vmem>>) semaphore(%run_scoped3A_154 : memref<!tpu.dma_semaphore, #tpu.memory_space<semaphore_mem>>)
      %dma_wait3A_163 = arith.constant 0 : i32
      %dma_wait3A_164 = tpu.memref_slice %arg10[%run_scoped3A, %dma_wait3A_163] : memref<4x128xi32, #tpu.memory_space<vmem>> -> memref<1x128xi32, #tpu.memory_space<vmem>>
      %dma_wait3A_165 = tpu.memref_squeeze %dma_wait3A_164 : memref<1x128xi32, #tpu.memory_space<vmem>> -> memref<128xi32, #tpu.memory_space<vmem>>
      %dma_wait3A_166 = arith.constant 0 : i32
      %dma_wait3A_167 = tpu.memref_slice %arg9[%run_scoped3A_67, %dma_wait3A_166] : memref<4x128xi32, #tpu.memory_space<vmem>> -> memref<1x128xi32, #tpu.memory_space<vmem>>
      %dma_wait3A_168 = tpu.memref_squeeze %dma_wait3A_167 : memref<1x128xi32, #tpu.memory_space<vmem>> -> memref<128xi32, #tpu.memory_space<vmem>>
      %dma_wait3A_169 = arith.constant 0 : i32
      %dma_wait3A_170 = tpu.memref_slice %arg12[%dma_wait3A_169] : memref<8192xi32, #tpu.memory_space<vmem_shared>> -> memref<8192xi32, #tpu.memory_space<vmem_shared>>
      tpu.wait_indirect_dma semaphore(%run_scoped3A_154 : memref<!tpu.dma_semaphore, #tpu.memory_space<semaphore_mem>>) src(%dma_wait3A_165 : memref<128xi32, #tpu.memory_space<vmem>>) dst(%dma_wait3A_170 : memref<8192xi32, #tpu.memory_space<vmem_shared>>)
      tpu.yield
    }) : () -> ()
    %run_scoped3A_68 = arith.constant 1 : i32
    %run_scoped3A_69 = arith.constant 1 : i32
    "tpu.region"() ({
      %run_scoped3A_154 = tpu.sem_alloc : memref<!tpu.dma_semaphore, #tpu.memory_space<semaphore_mem>>
      %dma_start3A_155 = arith.constant 0 : i32
      %dma_start3A_156 = tpu.memref_slice %arg10[%run_scoped3A_68, %dma_start3A_155] : memref<4x128xi32, #tpu.memory_space<vmem>> -> memref<1x128xi32, #tpu.memory_space<vmem>>
      %dma_start3A_157 = tpu.memref_squeeze %dma_start3A_156 : memref<1x128xi32, #tpu.memory_space<vmem>> -> memref<128xi32, #tpu.memory_space<vmem>>
      %dma_start3A_158 = arith.constant 0 : i32
      %dma_start3A_159 = tpu.memref_slice %arg9[%run_scoped3A_69, %dma_start3A_158] : memref<4x128xi32, #tpu.memory_space<vmem>> -> memref<1x128xi32, #tpu.memory_space<vmem>>
      %dma_start3A_160 = tpu.memref_squeeze %dma_start3A_159 : memref<1x128xi32, #tpu.memory_space<vmem>> -> memref<128xi32, #tpu.memory_space<vmem>>
      %dma_start3A_161 = arith.constant 0 : i32
      %dma_start3A_162 = tpu.memref_slice %arg12[%dma_start3A_161] : memref<8192xi32, #tpu.memory_space<vmem_shared>> -> memref<8192xi32, #tpu.memory_space<vmem_shared>>
      tpu.enqueue_indirect_dma source(%dma_start3A_157 : memref<128xi32, #tpu.memory_space<vmem>>) target(%dma_start3A_162 : memref<8192xi32, #tpu.memory_space<vmem_shared>>) offsets(%dma_start3A_160 : memref<128xi32, #tpu.memory_space<vmem>>) semaphore(%run_scoped3A_154 : memref<!tpu.dma_semaphore, #tpu.memory_space<semaphore_mem>>)
      %dma_wait3A_163 = arith.constant 0 : i32
      %dma_wait3A_164 = tpu.memref_slice %arg10[%run_scoped3A_68, %dma_wait3A_163] : memref<4x128xi32, #tpu.memory_space<vmem>> -> memref<1x128xi32, #tpu.memory_space<vmem>>
      %dma_wait3A_165 = tpu.memref_squeeze %dma_wait3A_164 : memref<1x128xi32, #tpu.memory_space<vmem>> -> memref<128xi32, #tpu.memory_space<vmem>>
      %dma_wait3A_166 = arith.constant 0 : i32
      %dma_wait3A_167 = tpu.memref_slice %arg9[%run_scoped3A_69, %dma_wait3A_166] : memref<4x128xi32, #tpu.memory_space<vmem>> -> memref<1x128xi32, #tpu.memory_space<vmem>>
      %dma_wait3A_168 = tpu.memref_squeeze %dma_wait3A_167 : memref<1x128xi32, #tpu.memory_space<vmem>> -> memref<128xi32, #tpu.memory_space<vmem>>
      %dma_wait3A_169 = arith.constant 0 : i32
      %dma_wait3A_170 = tpu.memref_slice %arg12[%dma_wait3A_169] : memref<8192xi32, #tpu.memory_space<vmem_shared>> -> memref<8192xi32, #tpu.memory_space<vmem_shared>>
      tpu.wait_indirect_dma semaphore(%run_scoped3A_154 : memref<!tpu.dma_semaphore, #tpu.memory_space<semaphore_mem>>) src(%dma_wait3A_165 : memref<128xi32, #tpu.memory_space<vmem>>) dst(%dma_wait3A_170 : memref<8192xi32, #tpu.memory_space<vmem_shared>>)
      tpu.yield
    }) : () -> ()
    %run_scoped3A_70 = arith.constant 2 : i32
    %run_scoped3A_71 = arith.constant 2 : i32
    "tpu.region"() ({
      %run_scoped3A_154 = tpu.sem_alloc : memref<!tpu.dma_semaphore, #tpu.memory_space<semaphore_mem>>
      %dma_start3A_155 = arith.constant 0 : i32
      %dma_start3A_156 = tpu.memref_slice %arg10[%run_scoped3A_70, %dma_start3A_155] : memref<4x128xi32, #tpu.memory_space<vmem>> -> memref<1x128xi32, #tpu.memory_space<vmem>>
      %dma_start3A_157 = tpu.memref_squeeze %dma_start3A_156 : memref<1x128xi32, #tpu.memory_space<vmem>> -> memref<128xi32, #tpu.memory_space<vmem>>
      %dma_start3A_158 = arith.constant 0 : i32
      %dma_start3A_159 = tpu.memref_slice %arg9[%run_scoped3A_71, %dma_start3A_158] : memref<4x128xi32, #tpu.memory_space<vmem>> -> memref<1x128xi32, #tpu.memory_space<vmem>>
      %dma_start3A_160 = tpu.memref_squeeze %dma_start3A_159 : memref<1x128xi32, #tpu.memory_space<vmem>> -> memref<128xi32, #tpu.memory_space<vmem>>
      %dma_start3A_161 = arith.constant 0 : i32
      %dma_start3A_162 = tpu.memref_slice %arg12[%dma_start3A_161] : memref<8192xi32, #tpu.memory_space<vmem_shared>> -> memref<8192xi32, #tpu.memory_space<vmem_shared>>
      tpu.enqueue_indirect_dma source(%dma_start3A_157 : memref<128xi32, #tpu.memory_space<vmem>>) target(%dma_start3A_162 : memref<8192xi32, #tpu.memory_space<vmem_shared>>) offsets(%dma_start3A_160 : memref<128xi32, #tpu.memory_space<vmem>>) semaphore(%run_scoped3A_154 : memref<!tpu.dma_semaphore, #tpu.memory_space<semaphore_mem>>)
      %dma_wait3A_163 = arith.constant 0 : i32
      %dma_wait3A_164 = tpu.memref_slice %arg10[%run_scoped3A_70, %dma_wait3A_163] : memref<4x128xi32, #tpu.memory_space<vmem>> -> memref<1x128xi32, #tpu.memory_space<vmem>>
      %dma_wait3A_165 = tpu.memref_squeeze %dma_wait3A_164 : memref<1x128xi32, #tpu.memory_space<vmem>> -> memref<128xi32, #tpu.memory_space<vmem>>
      %dma_wait3A_166 = arith.constant 0 : i32
      %dma_wait3A_167 = tpu.memref_slice %arg9[%run_scoped3A_71, %dma_wait3A_166] : memref<4x128xi32, #tpu.memory_space<vmem>> -> memref<1x128xi32, #tpu.memory_space<vmem>>
      %dma_wait3A_168 = tpu.memref_squeeze %dma_wait3A_167 : memref<1x128xi32, #tpu.memory_space<vmem>> -> memref<128xi32, #tpu.memory_space<vmem>>
      %dma_wait3A_169 = arith.constant 0 : i32
      %dma_wait3A_170 = tpu.memref_slice %arg12[%dma_wait3A_169] : memref<8192xi32, #tpu.memory_space<vmem_shared>> -> memref<8192xi32, #tpu.memory_space<vmem_shared>>
      tpu.wait_indirect_dma semaphore(%run_scoped3A_154 : memref<!tpu.dma_semaphore, #tpu.memory_space<semaphore_mem>>) src(%dma_wait3A_165 : memref<128xi32, #tpu.memory_space<vmem>>) dst(%dma_wait3A_170 : memref<8192xi32, #tpu.memory_space<vmem_shared>>)
      tpu.yield
    }) : () -> ()
    %run_scoped3A_72 = arith.constant 3 : i32
    %run_scoped3A_73 = arith.constant 3 : i32
    "tpu.region"() ({
      %run_scoped3A_154 = tpu.sem_alloc : memref<!tpu.dma_semaphore, #tpu.memory_space<semaphore_mem>>
      %dma_start3A_155 = arith.constant 0 : i32
      %dma_start3A_156 = tpu.memref_slice %arg10[%run_scoped3A_72, %dma_start3A_155] : memref<4x128xi32, #tpu.memory_space<vmem>> -> memref<1x128xi32, #tpu.memory_space<vmem>>
      %dma_start3A_157 = tpu.memref_squeeze %dma_start3A_156 : memref<1x128xi32, #tpu.memory_space<vmem>> -> memref<128xi32, #tpu.memory_space<vmem>>
      %dma_start3A_158 = arith.constant 0 : i32
      %dma_start3A_159 = tpu.memref_slice %arg9[%run_scoped3A_73, %dma_start3A_158] : memref<4x128xi32, #tpu.memory_space<vmem>> -> memref<1x128xi32, #tpu.memory_space<vmem>>
      %dma_start3A_160 = tpu.memref_squeeze %dma_start3A_159 : memref<1x128xi32, #tpu.memory_space<vmem>> -> memref<128xi32, #tpu.memory_space<vmem>>
      %dma_start3A_161 = arith.constant 0 : i32
      %dma_start3A_162 = tpu.memref_slice %arg12[%dma_start3A_161] : memref<8192xi32, #tpu.memory_space<vmem_shared>> -> memref<8192xi32, #tpu.memory_space<vmem_shared>>
      tpu.enqueue_indirect_dma source(%dma_start3A_157 : memref<128xi32, #tpu.memory_space<vmem>>) target(%dma_start3A_162 : memref<8192xi32, #tpu.memory_space<vmem_shared>>) offsets(%dma_start3A_160 : memref<128xi32, #tpu.memory_space<vmem>>) semaphore(%run_scoped3A_154 : memref<!tpu.dma_semaphore, #tpu.memory_space<semaphore_mem>>)
      %dma_wait3A_163 = arith.constant 0 : i32
      %dma_wait3A_164 = tpu.memref_slice %arg10[%run_scoped3A_72, %dma_wait3A_163] : memref<4x128xi32, #tpu.memory_space<vmem>> -> memref<1x128xi32, #tpu.memory_space<vmem>>
      %dma_wait3A_165 = tpu.memref_squeeze %dma_wait3A_164 : memref<1x128xi32, #tpu.memory_space<vmem>> -> memref<128xi32, #tpu.memory_space<vmem>>
      %dma_wait3A_166 = arith.constant 0 : i32
      %dma_wait3A_167 = tpu.memref_slice %arg9[%run_scoped3A_73, %dma_wait3A_166] : memref<4x128xi32, #tpu.memory_space<vmem>> -> memref<1x128xi32, #tpu.memory_space<vmem>>
      %dma_wait3A_168 = tpu.memref_squeeze %dma_wait3A_167 : memref<1x128xi32, #tpu.memory_space<vmem>> -> memref<128xi32, #tpu.memory_space<vmem>>
      %dma_wait3A_169 = arith.constant 0 : i32
      %dma_wait3A_170 = tpu.memref_slice %arg12[%dma_wait3A_169] : memref<8192xi32, #tpu.memory_space<vmem_shared>> -> memref<8192xi32, #tpu.memory_space<vmem_shared>>
      tpu.wait_indirect_dma semaphore(%run_scoped3A_154 : memref<!tpu.dma_semaphore, #tpu.memory_space<semaphore_mem>>) src(%dma_wait3A_165 : memref<128xi32, #tpu.memory_space<vmem>>) dst(%dma_wait3A_170 : memref<8192xi32, #tpu.memory_space<vmem_shared>>)
      tpu.yield
    }) : () -> ()
    %dma_wait3A_74 = arith.constant 0 : i32
    %dma_wait3A_75 = tpu.memref_slice %arg2[%add3A_4, %dma_wait3A_74] : memref<16384x256xf32, #tpu.memory_space<hbm>> -> memref<128x256xf32, #tpu.memory_space<hbm>>
    %dma_wait3A_76 = arith.constant 0 : i32
    %dma_wait3A_77 = tpu.memref_slice %arg2[%add3A_4, %dma_wait3A_76] : memref<16384x256xf32, #tpu.memory_space<hbm>> -> memref<128x256xf32, #tpu.memory_space<hbm>>
    tpu.wait_dma2 semaphore(%arg17 : memref<!tpu.dma_semaphore, #tpu.memory_space<semaphore_mem>>) src(%dma_wait3A_77 : memref<128x256xf32, #tpu.memory_space<hbm>>) dst(%arg13 : memref<128x256xf32, #tpu.memory_space<vmem>>)
    %dma_start3A_78 = arith.constant 0 : i32
    %dma_start3A_79 = arith.constant 0 : i32
    %dma_start3A_80 = tpu.memref_slice %arg8[%dma_start3A_78, %dma_start3A_79] : memref<4x128xi32, #tpu.memory_space<vmem>> -> memref<1x128xi32, #tpu.memory_space<vmem>>
    %dma_start3A_81 = tpu.memref_squeeze %dma_start3A_80 : memref<1x128xi32, #tpu.memory_space<vmem>> -> memref<128xi32, #tpu.memory_space<vmem>>
    %dma_start3A_82 = arith.constant 0 : i32
    %dma_start3A_83 = arith.constant 0 : i32
    %dma_start3A_84 = tpu.memref_slice %arg7[%dma_start3A_82, %dma_start3A_83] : memref<16384x256xf32, #tpu.memory_space<hbm>> -> memref<16384x256xf32, #tpu.memory_space<hbm>>
    tpu.enqueue_indirect_dma source(%arg13 : memref<128x256xf32, #tpu.memory_space<vmem>>) target(%dma_start3A_84 : memref<16384x256xf32, #tpu.memory_space<hbm>>) offsets(%dma_start3A_81 : memref<128xi32, #tpu.memory_space<vmem>>) semaphore(%arg18 : memref<!tpu.dma_semaphore, #tpu.memory_space<semaphore_mem>>)
    %dma_wait3A_85 = arith.constant 0 : i32
    %dma_wait3A_86 = arith.constant 0 : i32
    %dma_wait3A_87 = tpu.memref_slice %arg8[%dma_wait3A_85, %dma_wait3A_86] : memref<4x128xi32, #tpu.memory_space<vmem>> -> memref<1x128xi32, #tpu.memory_space<vmem>>
    %dma_wait3A_88 = tpu.memref_squeeze %dma_wait3A_87 : memref<1x128xi32, #tpu.memory_space<vmem>> -> memref<128xi32, #tpu.memory_space<vmem>>
    %dma_wait3A_89 = arith.constant 0 : i32
    %dma_wait3A_90 = arith.constant 0 : i32
    %dma_wait3A_91 = tpu.memref_slice %arg7[%dma_wait3A_89, %dma_wait3A_90] : memref<16384x256xf32, #tpu.memory_space<hbm>> -> memref<16384x256xf32, #tpu.memory_space<hbm>>
    tpu.wait_indirect_dma semaphore(%arg18 : memref<!tpu.dma_semaphore, #tpu.memory_space<semaphore_mem>>) src(%arg13 : memref<128x256xf32, #tpu.memory_space<vmem>>) dst(%dma_wait3A_91 : memref<16384x256xf32, #tpu.memory_space<hbm>>)
    %add3A_92 = arith.constant 384 : i32
    %add3A_93 = arith.addi %mul3A_2, %add3A_92 : i32
    %dma_start3A_94 = arith.constant 0 : i32
    %dma_start3A_95 = tpu.memref_slice %arg2[%add3A_93, %dma_start3A_94] : memref<16384x256xf32, #tpu.memory_space<hbm>> -> memref<128x256xf32, #tpu.memory_space<hbm>>
    %dma_start3A_96 = arith.constant 0 : i32
    %dma_start3A_97 = tpu.memref_slice %arg2[%add3A_93, %dma_start3A_96] : memref<16384x256xf32, #tpu.memory_space<hbm>> -> memref<128x256xf32, #tpu.memory_space<hbm>>
    tpu.enqueue_dma source(%dma_start3A_97 : memref<128x256xf32, #tpu.memory_space<hbm>>) target(%arg13 : memref<128x256xf32, #tpu.memory_space<vmem>>) target_semaphore(%arg17 : memref<!tpu.dma_semaphore, #tpu.memory_space<semaphore_mem>>)
    %dma_wait3A_98 = arith.constant 0 : i32
    %dma_wait3A_99 = tpu.memref_slice %arg2[%add3A_9, %dma_wait3A_98] : memref<16384x256xf32, #tpu.memory_space<hbm>> -> memref<128x256xf32, #tpu.memory_space<hbm>>
    %dma_wait3A_100 = arith.constant 0 : i32
    %dma_wait3A_101 = tpu.memref_slice %arg2[%add3A_9, %dma_wait3A_100] : memref<16384x256xf32, #tpu.memory_space<hbm>> -> memref<128x256xf32, #tpu.memory_space<hbm>>
    tpu.wait_dma2 semaphore(%arg17 : memref<!tpu.dma_semaphore, #tpu.memory_space<semaphore_mem>>) src(%dma_wait3A_101 : memref<128x256xf32, #tpu.memory_space<hbm>>) dst(%arg14 : memref<128x256xf32, #tpu.memory_space<vmem>>)
    %dma_start3A_102 = arith.constant 1 : i32
    %dma_start3A_103 = arith.constant 0 : i32
    %dma_start3A_104 = tpu.memref_slice %arg8[%dma_start3A_102, %dma_start3A_103] : memref<4x128xi32, #tpu.memory_space<vmem>> -> memref<1x128xi32, #tpu.memory_space<vmem>>
    %dma_start3A_105 = tpu.memref_squeeze %dma_start3A_104 : memref<1x128xi32, #tpu.memory_space<vmem>> -> memref<128xi32, #tpu.memory_space<vmem>>
    %dma_start3A_106 = arith.constant 0 : i32
    %dma_start3A_107 = arith.constant 0 : i32
    %dma_start3A_108 = tpu.memref_slice %arg7[%dma_start3A_106, %dma_start3A_107] : memref<16384x256xf32, #tpu.memory_space<hbm>> -> memref<16384x256xf32, #tpu.memory_space<hbm>>
    tpu.enqueue_indirect_dma source(%arg14 : memref<128x256xf32, #tpu.memory_space<vmem>>) target(%dma_start3A_108 : memref<16384x256xf32, #tpu.memory_space<hbm>>) offsets(%dma_start3A_105 : memref<128xi32, #tpu.memory_space<vmem>>) semaphore(%arg18 : memref<!tpu.dma_semaphore, #tpu.memory_space<semaphore_mem>>)
    %dma_wait3A_109 = arith.constant 0 : i32
    %dma_wait3A_110 = tpu.memref_slice %arg2[%add3A_15, %dma_wait3A_109] : memref<16384x256xf32, #tpu.memory_space<hbm>> -> memref<128x256xf32, #tpu.memory_space<hbm>>
    %dma_wait3A_111 = arith.constant 0 : i32
    %dma_wait3A_112 = tpu.memref_slice %arg2[%add3A_15, %dma_wait3A_111] : memref<16384x256xf32, #tpu.memory_space<hbm>> -> memref<128x256xf32, #tpu.memory_space<hbm>>
    tpu.wait_dma2 semaphore(%arg17 : memref<!tpu.dma_semaphore, #tpu.memory_space<semaphore_mem>>) src(%dma_wait3A_112 : memref<128x256xf32, #tpu.memory_space<hbm>>) dst(%arg15 : memref<128x256xf32, #tpu.memory_space<vmem>>)
    %dma_start3A_113 = arith.constant 2 : i32
    %dma_start3A_114 = arith.constant 0 : i32
    %dma_start3A_115 = tpu.memref_slice %arg8[%dma_start3A_113, %dma_start3A_114] : memref<4x128xi32, #tpu.memory_space<vmem>> -> memref<1x128xi32, #tpu.memory_space<vmem>>
    %dma_start3A_116 = tpu.memref_squeeze %dma_start3A_115 : memref<1x128xi32, #tpu.memory_space<vmem>> -> memref<128xi32, #tpu.memory_space<vmem>>
    %dma_start3A_117 = arith.constant 0 : i32
    %dma_start3A_118 = arith.constant 0 : i32
    %dma_start3A_119 = tpu.memref_slice %arg7[%dma_start3A_117, %dma_start3A_118] : memref<16384x256xf32, #tpu.memory_space<hbm>> -> memref<16384x256xf32, #tpu.memory_space<hbm>>
    tpu.enqueue_indirect_dma source(%arg15 : memref<128x256xf32, #tpu.memory_space<vmem>>) target(%dma_start3A_119 : memref<16384x256xf32, #tpu.memory_space<hbm>>) offsets(%dma_start3A_116 : memref<128xi32, #tpu.memory_space<vmem>>) semaphore(%arg18 : memref<!tpu.dma_semaphore, #tpu.memory_space<semaphore_mem>>)
    %dma_wait3A_120 = arith.constant 0 : i32
    %dma_wait3A_121 = tpu.memref_slice %arg2[%add3A_93, %dma_wait3A_120] : memref<16384x256xf32, #tpu.memory_space<hbm>> -> memref<128x256xf32, #tpu.memory_space<hbm>>
    %dma_wait3A_122 = arith.constant 0 : i32
    %dma_wait3A_123 = tpu.memref_slice %arg2[%add3A_93, %dma_wait3A_122] : memref<16384x256xf32, #tpu.memory_space<hbm>> -> memref<128x256xf32, #tpu.memory_space<hbm>>
    tpu.wait_dma2 semaphore(%arg17 : memref<!tpu.dma_semaphore, #tpu.memory_space<semaphore_mem>>) src(%dma_wait3A_123 : memref<128x256xf32, #tpu.memory_space<hbm>>) dst(%arg13 : memref<128x256xf32, #tpu.memory_space<vmem>>)
    %dma_start3A_124 = arith.constant 3 : i32
    %dma_start3A_125 = arith.constant 0 : i32
    %dma_start3A_126 = tpu.memref_slice %arg8[%dma_start3A_124, %dma_start3A_125] : memref<4x128xi32, #tpu.memory_space<vmem>> -> memref<1x128xi32, #tpu.memory_space<vmem>>
    %dma_start3A_127 = tpu.memref_squeeze %dma_start3A_126 : memref<1x128xi32, #tpu.memory_space<vmem>> -> memref<128xi32, #tpu.memory_space<vmem>>
    %dma_start3A_128 = arith.constant 0 : i32
    %dma_start3A_129 = arith.constant 0 : i32
    %dma_start3A_130 = tpu.memref_slice %arg7[%dma_start3A_128, %dma_start3A_129] : memref<16384x256xf32, #tpu.memory_space<hbm>> -> memref<16384x256xf32, #tpu.memory_space<hbm>>
    tpu.enqueue_indirect_dma source(%arg13 : memref<128x256xf32, #tpu.memory_space<vmem>>) target(%dma_start3A_130 : memref<16384x256xf32, #tpu.memory_space<hbm>>) offsets(%dma_start3A_127 : memref<128xi32, #tpu.memory_space<vmem>>) semaphore(%arg18 : memref<!tpu.dma_semaphore, #tpu.memory_space<semaphore_mem>>)
    %barrier3A = arith.constant 0 : index
    tpu.barrier barrier_id(%barrier3A)
    %mul3A_131 = arith.constant 512 : i32
    %mul3A_132 = arith.muli %arg1, %mul3A_131 : i32
    "tpu.region"() ({
      %run_scoped3A_154 = tpu.sem_alloc : memref<!tpu.dma_semaphore, #tpu.memory_space<semaphore_mem>>
      %dma_start3A_155 = tpu.memref_slice %arg12[%mul3A_132] : memref<8192xi32, #tpu.memory_space<vmem_shared>> -> memref<512xi32, #tpu.memory_space<vmem_shared>>
      %dma_start3A_156 = tpu.memref_slice %arg12[%mul3A_132] : memref<8192xi32, #tpu.memory_space<vmem_shared>> -> memref<512xi32, #tpu.memory_space<vmem_shared>>
      tpu.enqueue_dma source(%dma_start3A_156 : memref<512xi32, #tpu.memory_space<vmem_shared>>) target(%arg11 : memref<512xi32, #tpu.memory_space<vmem>>) target_semaphore(%run_scoped3A_154 : memref<!tpu.dma_semaphore, #tpu.memory_space<semaphore_mem>>)
      %dma_wait3A_157 = tpu.memref_slice %arg12[%mul3A_132] : memref<8192xi32, #tpu.memory_space<vmem_shared>> -> memref<512xi32, #tpu.memory_space<vmem_shared>>
      %dma_wait3A_158 = tpu.memref_slice %arg12[%mul3A_132] : memref<8192xi32, #tpu.memory_space<vmem_shared>> -> memref<512xi32, #tpu.memory_space<vmem_shared>>
      tpu.wait_dma2 semaphore(%run_scoped3A_154 : memref<!tpu.dma_semaphore, #tpu.memory_space<semaphore_mem>>) src(%dma_wait3A_158 : memref<512xi32, #tpu.memory_space<vmem_shared>>) dst(%arg11 : memref<512xi32, #tpu.memory_space<vmem>>)
      tpu.yield
    }) : () -> ()
    "tpu.region"() ({
      %run_scoped3A_154 = tpu.sem_alloc : memref<!tpu.dma_semaphore, #tpu.memory_space<semaphore_mem>>
      %dma_start3A_155 = tpu.memref_slice %arg6[%mul3A_2] : memref<16384xi32, #tpu.memory_space<hbm>> -> memref<512xi32, #tpu.memory_space<hbm>>
      %dma_start3A_156 = tpu.memref_slice %arg6[%mul3A_2] : memref<16384xi32, #tpu.memory_space<hbm>> -> memref<512xi32, #tpu.memory_space<hbm>>
      tpu.enqueue_dma source(%arg11 : memref<512xi32, #tpu.memory_space<vmem>>) target(%dma_start3A_156 : memref<512xi32, #tpu.memory_space<hbm>>) target_semaphore(%run_scoped3A_154 : memref<!tpu.dma_semaphore, #tpu.memory_space<semaphore_mem>>)
      %dma_wait3A_157 = tpu.memref_slice %arg6[%mul3A_2] : memref<16384xi32, #tpu.memory_space<hbm>> -> memref<512xi32, #tpu.memory_space<hbm>>
      %dma_wait3A_158 = tpu.memref_slice %arg6[%mul3A_2] : memref<16384xi32, #tpu.memory_space<hbm>> -> memref<512xi32, #tpu.memory_space<hbm>>
      tpu.wait_dma2 semaphore(%run_scoped3A_154 : memref<!tpu.dma_semaphore, #tpu.memory_space<semaphore_mem>>) src(%arg11 : memref<512xi32, #tpu.memory_space<vmem>>) dst(%dma_wait3A_158 : memref<512xi32, #tpu.memory_space<hbm>>)
      tpu.yield
    }) : () -> ()
    %dma_wait3A_133 = arith.constant 1 : i32
    %dma_wait3A_134 = arith.constant 0 : i32
    %dma_wait3A_135 = tpu.memref_slice %arg8[%dma_wait3A_133, %dma_wait3A_134] : memref<4x128xi32, #tpu.memory_space<vmem>> -> memref<1x128xi32, #tpu.memory_space<vmem>>
    %dma_wait3A_136 = tpu.memref_squeeze %dma_wait3A_135 : memref<1x128xi32, #tpu.memory_space<vmem>> -> memref<128xi32, #tpu.memory_space<vmem>>
    %dma_wait3A_137 = arith.constant 0 : i32
    %dma_wait3A_138 = arith.constant 0 : i32
    %dma_wait3A_139 = tpu.memref_slice %arg7[%dma_wait3A_137, %dma_wait3A_138] : memref<16384x256xf32, #tpu.memory_space<hbm>> -> memref<16384x256xf32, #tpu.memory_space<hbm>>
    tpu.wait_indirect_dma semaphore(%arg18 : memref<!tpu.dma_semaphore, #tpu.memory_space<semaphore_mem>>) src(%arg14 : memref<128x256xf32, #tpu.memory_space<vmem>>) dst(%dma_wait3A_139 : memref<16384x256xf32, #tpu.memory_space<hbm>>)
    %dma_wait3A_140 = arith.constant 2 : i32
    %dma_wait3A_141 = arith.constant 0 : i32
    %dma_wait3A_142 = tpu.memref_slice %arg8[%dma_wait3A_140, %dma_wait3A_141] : memref<4x128xi32, #tpu.memory_space<vmem>> -> memref<1x128xi32, #tpu.memory_space<vmem>>
    %dma_wait3A_143 = tpu.memref_squeeze %dma_wait3A_142 : memref<1x128xi32, #tpu.memory_space<vmem>> -> memref<128xi32, #tpu.memory_space<vmem>>
    %dma_wait3A_144 = arith.constant 0 : i32
    %dma_wait3A_145 = arith.constant 0 : i32
    %dma_wait3A_146 = tpu.memref_slice %arg7[%dma_wait3A_144, %dma_wait3A_145] : memref<16384x256xf32, #tpu.memory_space<hbm>> -> memref<16384x256xf32, #tpu.memory_space<hbm>>
    tpu.wait_indirect_dma semaphore(%arg18 : memref<!tpu.dma_semaphore, #tpu.memory_space<semaphore_mem>>) src(%arg15 : memref<128x256xf32, #tpu.memory_space<vmem>>) dst(%dma_wait3A_146 : memref<16384x256xf32, #tpu.memory_space<hbm>>)
    %dma_wait3A_147 = arith.constant 3 : i32
    %dma_wait3A_148 = arith.constant 0 : i32
    %dma_wait3A_149 = tpu.memref_slice %arg8[%dma_wait3A_147, %dma_wait3A_148] : memref<4x128xi32, #tpu.memory_space<vmem>> -> memref<1x128xi32, #tpu.memory_space<vmem>>
    %dma_wait3A_150 = tpu.memref_squeeze %dma_wait3A_149 : memref<1x128xi32, #tpu.memory_space<vmem>> -> memref<128xi32, #tpu.memory_space<vmem>>
    %dma_wait3A_151 = arith.constant 0 : i32
    %dma_wait3A_152 = arith.constant 0 : i32
    %dma_wait3A_153 = tpu.memref_slice %arg7[%dma_wait3A_151, %dma_wait3A_152] : memref<16384x256xf32, #tpu.memory_space<hbm>> -> memref<16384x256xf32, #tpu.memory_space<hbm>>
    tpu.wait_indirect_dma semaphore(%arg18 : memref<!tpu.dma_semaphore, #tpu.memory_space<semaphore_mem>>) src(%arg13 : memref<128x256xf32, #tpu.memory_space<vmem>>) dst(%dma_wait3A_153 : memref<16384x256xf32, #tpu.memory_space<hbm>>)
    return
  }
}

module attributes {stable_mosaic.version = 14 : i64} {
  func.func @_fused_kernel(%arg0: i32, %arg1: i32, %arg2: memref<1x1024x2048xf32, #tpu.memory_space<vmem>>, %arg3: memref<1x1024x1024xf32, #tpu.memory_space<vmem>>, %arg4: memref<1x1024x1xi32, #tpu.memory_space<vmem>>, %arg5: memref<1x1024x1xi32, #tpu.memory_space<vmem>>, %arg6: memref<1x1024x1xi32, #tpu.memory_space<vmem>>, %arg7: memref<2x2048xf32, #tpu.memory_space<vmem>>, %arg8: memref<2x2048x1xf32, #tpu.memory_space<vmem>>) attributes {dimension_semantics = [#tpu.dimension_semantics<arbitrary>, #tpu.dimension_semantics<arbitrary>], iteration_bounds = array<i64: 9, 2>, scalar_prefetch = 0 : i64, scratch_operands = 2 : i64, tpu.core_type = #tpu.core_type<tc>, window_params = [{transform_indices = @transform_0, window_bounds = array<i64: 1, 1024, 2048>}, {pipeline_mode = #tpu.pipeline_mode<synchronous>, transform_indices = @transform_1, window_bounds = array<i64: 1, 1024, 1024>}, {transform_indices = @transform_2, window_bounds = array<i64: 1, 1024, 1>}, {transform_indices = @transform_3, window_bounds = array<i64: 1, 1024, 1>}, {transform_indices = @transform_4, window_bounds = array<i64: 1, 1024, 1>}]} {
    %lt3A = arith.constant 8 : i32
    %lt3A_0 = arith.cmpi slt, %arg0, %lt3A : i32
    %convert_element_type3A = arith.extui %lt3A_0 : i1 to i32
    %cond3A = arith.constant 0 : i32
    %cond3A_1 = arith.cmpi ne, %convert_element_type3A, %cond3A : i32
    scf.if %cond3A_1 {
      %get3A = arith.constant 0 : index
      %get3A_6 = arith.constant 0 : index
      %get3A_7 = arith.constant 0 : index
      %get3A_8 = vector.load %arg2[%get3A, %get3A_6, %get3A_7] : memref<1x1024x2048xf32, #tpu.memory_space<vmem>>, vector<1x1024x2048xf32>
      %get3A_9 = vector.shape_cast %get3A_8 : vector<1x1024x2048xf32> to vector<1024x2048xf32>
      %slice3A = vector.extract_strided_slice %get3A_9 {offsets = [0, 0], sizes = [1024, 128], strides = [1, 1]} : vector<1024x2048xf32> to vector<1024x128xf32>
      %slice3A_10 = vector.extract_strided_slice %get3A_9 {offsets = [0, 128], sizes = [1024, 128], strides = [1, 1]} : vector<1024x2048xf32> to vector<1024x128xf32>
      %add3A = arith.addf %slice3A, %slice3A_10 : vector<1024x128xf32>
      %slice3A_11 = vector.extract_strided_slice %get3A_9 {offsets = [0, 256], sizes = [1024, 128], strides = [1, 1]} : vector<1024x2048xf32> to vector<1024x128xf32>
      %add3A_12 = arith.addf %add3A, %slice3A_11 : vector<1024x128xf32>
      %slice3A_13 = vector.extract_strided_slice %get3A_9 {offsets = [0, 384], sizes = [1024, 128], strides = [1, 1]} : vector<1024x2048xf32> to vector<1024x128xf32>
      %add3A_14 = arith.addf %add3A_12, %slice3A_13 : vector<1024x128xf32>
      %slice3A_15 = vector.extract_strided_slice %get3A_9 {offsets = [0, 512], sizes = [1024, 128], strides = [1, 1]} : vector<1024x2048xf32> to vector<1024x128xf32>
      %add3A_16 = arith.addf %add3A_14, %slice3A_15 : vector<1024x128xf32>
      %slice3A_17 = vector.extract_strided_slice %get3A_9 {offsets = [0, 640], sizes = [1024, 128], strides = [1, 1]} : vector<1024x2048xf32> to vector<1024x128xf32>
      %add3A_18 = arith.addf %add3A_16, %slice3A_17 : vector<1024x128xf32>
      %slice3A_19 = vector.extract_strided_slice %get3A_9 {offsets = [0, 768], sizes = [1024, 128], strides = [1, 1]} : vector<1024x2048xf32> to vector<1024x128xf32>
      %add3A_20 = arith.addf %add3A_18, %slice3A_19 : vector<1024x128xf32>
      %slice3A_21 = vector.extract_strided_slice %get3A_9 {offsets = [0, 896], sizes = [1024, 128], strides = [1, 1]} : vector<1024x2048xf32> to vector<1024x128xf32>
      %add3A_22 = arith.addf %add3A_20, %slice3A_21 : vector<1024x128xf32>
      %slice3A_23 = vector.extract_strided_slice %get3A_9 {offsets = [0, 1024], sizes = [1024, 128], strides = [1, 1]} : vector<1024x2048xf32> to vector<1024x128xf32>
      %add3A_24 = arith.addf %add3A_22, %slice3A_23 : vector<1024x128xf32>
      %slice3A_25 = vector.extract_strided_slice %get3A_9 {offsets = [0, 1152], sizes = [1024, 128], strides = [1, 1]} : vector<1024x2048xf32> to vector<1024x128xf32>
      %add3A_26 = arith.addf %add3A_24, %slice3A_25 : vector<1024x128xf32>
      %slice3A_27 = vector.extract_strided_slice %get3A_9 {offsets = [0, 1280], sizes = [1024, 128], strides = [1, 1]} : vector<1024x2048xf32> to vector<1024x128xf32>
      %add3A_28 = arith.addf %add3A_26, %slice3A_27 : vector<1024x128xf32>
      %slice3A_29 = vector.extract_strided_slice %get3A_9 {offsets = [0, 1408], sizes = [1024, 128], strides = [1, 1]} : vector<1024x2048xf32> to vector<1024x128xf32>
      %add3A_30 = arith.addf %add3A_28, %slice3A_29 : vector<1024x128xf32>
      %slice3A_31 = vector.extract_strided_slice %get3A_9 {offsets = [0, 1536], sizes = [1024, 128], strides = [1, 1]} : vector<1024x2048xf32> to vector<1024x128xf32>
      %add3A_32 = arith.addf %add3A_30, %slice3A_31 : vector<1024x128xf32>
      %slice3A_33 = vector.extract_strided_slice %get3A_9 {offsets = [0, 1664], sizes = [1024, 128], strides = [1, 1]} : vector<1024x2048xf32> to vector<1024x128xf32>
      %add3A_34 = arith.addf %add3A_32, %slice3A_33 : vector<1024x128xf32>
      %slice3A_35 = vector.extract_strided_slice %get3A_9 {offsets = [0, 1792], sizes = [1024, 128], strides = [1, 1]} : vector<1024x2048xf32> to vector<1024x128xf32>
      %add3A_36 = arith.addf %add3A_34, %slice3A_35 : vector<1024x128xf32>
      %slice3A_37 = vector.extract_strided_slice %get3A_9 {offsets = [0, 1920], sizes = [1024, 128], strides = [1, 1]} : vector<1024x2048xf32> to vector<1024x128xf32>
      %add3A_38 = arith.addf %add3A_36, %slice3A_37 : vector<1024x128xf32>
      %transpose3A = tpu.transpose %add3A_38, [1, 0] : vector<1024x128xf32> -> vector<128x1024xf32>
      %slice3A_39 = vector.extract_strided_slice %transpose3A {offsets = [0, 0], sizes = [8, 1024], strides = [1, 1]} : vector<128x1024xf32> to vector<8x1024xf32>
      %slice3A_40 = vector.extract_strided_slice %transpose3A {offsets = [8, 0], sizes = [8, 1024], strides = [1, 1]} : vector<128x1024xf32> to vector<8x1024xf32>
      %add3A_41 = arith.addf %slice3A_39, %slice3A_40 : vector<8x1024xf32>
      %slice3A_42 = vector.extract_strided_slice %transpose3A {offsets = [16, 0], sizes = [8, 1024], strides = [1, 1]} : vector<128x1024xf32> to vector<8x1024xf32>
      %add3A_43 = arith.addf %add3A_41, %slice3A_42 : vector<8x1024xf32>
      %slice3A_44 = vector.extract_strided_slice %transpose3A {offsets = [24, 0], sizes = [8, 1024], strides = [1, 1]} : vector<128x1024xf32> to vector<8x1024xf32>
      %add3A_45 = arith.addf %add3A_43, %slice3A_44 : vector<8x1024xf32>
      %slice3A_46 = vector.extract_strided_slice %transpose3A {offsets = [32, 0], sizes = [8, 1024], strides = [1, 1]} : vector<128x1024xf32> to vector<8x1024xf32>
      %add3A_47 = arith.addf %add3A_45, %slice3A_46 : vector<8x1024xf32>
      %slice3A_48 = vector.extract_strided_slice %transpose3A {offsets = [40, 0], sizes = [8, 1024], strides = [1, 1]} : vector<128x1024xf32> to vector<8x1024xf32>
      %add3A_49 = arith.addf %add3A_47, %slice3A_48 : vector<8x1024xf32>
      %slice3A_50 = vector.extract_strided_slice %transpose3A {offsets = [48, 0], sizes = [8, 1024], strides = [1, 1]} : vector<128x1024xf32> to vector<8x1024xf32>
      %add3A_51 = arith.addf %add3A_49, %slice3A_50 : vector<8x1024xf32>
      %slice3A_52 = vector.extract_strided_slice %transpose3A {offsets = [56, 0], sizes = [8, 1024], strides = [1, 1]} : vector<128x1024xf32> to vector<8x1024xf32>
      %add3A_53 = arith.addf %add3A_51, %slice3A_52 : vector<8x1024xf32>
      %slice3A_54 = vector.extract_strided_slice %transpose3A {offsets = [64, 0], sizes = [8, 1024], strides = [1, 1]} : vector<128x1024xf32> to vector<8x1024xf32>
      %add3A_55 = arith.addf %add3A_53, %slice3A_54 : vector<8x1024xf32>
      %slice3A_56 = vector.extract_strided_slice %transpose3A {offsets = [72, 0], sizes = [8, 1024], strides = [1, 1]} : vector<128x1024xf32> to vector<8x1024xf32>
      %add3A_57 = arith.addf %add3A_55, %slice3A_56 : vector<8x1024xf32>
      %slice3A_58 = vector.extract_strided_slice %transpose3A {offsets = [80, 0], sizes = [8, 1024], strides = [1, 1]} : vector<128x1024xf32> to vector<8x1024xf32>
      %add3A_59 = arith.addf %add3A_57, %slice3A_58 : vector<8x1024xf32>
      %slice3A_60 = vector.extract_strided_slice %transpose3A {offsets = [88, 0], sizes = [8, 1024], strides = [1, 1]} : vector<128x1024xf32> to vector<8x1024xf32>
      %add3A_61 = arith.addf %add3A_59, %slice3A_60 : vector<8x1024xf32>
      %slice3A_62 = vector.extract_strided_slice %transpose3A {offsets = [96, 0], sizes = [8, 1024], strides = [1, 1]} : vector<128x1024xf32> to vector<8x1024xf32>
      %add3A_63 = arith.addf %add3A_61, %slice3A_62 : vector<8x1024xf32>
      %slice3A_64 = vector.extract_strided_slice %transpose3A {offsets = [104, 0], sizes = [8, 1024], strides = [1, 1]} : vector<128x1024xf32> to vector<8x1024xf32>
      %add3A_65 = arith.addf %add3A_63, %slice3A_64 : vector<8x1024xf32>
      %slice3A_66 = vector.extract_strided_slice %transpose3A {offsets = [112, 0], sizes = [8, 1024], strides = [1, 1]} : vector<128x1024xf32> to vector<8x1024xf32>
      %add3A_67 = arith.addf %add3A_65, %slice3A_66 : vector<8x1024xf32>
      %slice3A_68 = vector.extract_strided_slice %transpose3A {offsets = [120, 0], sizes = [8, 1024], strides = [1, 1]} : vector<128x1024xf32> to vector<8x1024xf32>
      %add3A_69 = arith.addf %add3A_67, %slice3A_68 : vector<8x1024xf32>
      %slice3A_70 = vector.extract_strided_slice %add3A_69 {offsets = [0, 0], sizes = [1, 1024], strides = [1, 1]} : vector<8x1024xf32> to vector<1x1024xf32>
      %slice3A_71 = vector.extract_strided_slice %add3A_69 {offsets = [4, 0], sizes = [1, 1024], strides = [1, 1]} : vector<8x1024xf32> to vector<1x1024xf32>
      %add3A_72 = arith.addf %slice3A_70, %slice3A_71 : vector<1x1024xf32>
      %slice3A_73 = vector.extract_strided_slice %add3A_69 {offsets = [2, 0], sizes = [1, 1024], strides = [1, 1]} : vector<8x1024xf32> to vector<1x1024xf32>
      %slice3A_74 = vector.extract_strided_slice %add3A_69 {offsets = [6, 0], sizes = [1, 1024], strides = [1, 1]} : vector<8x1024xf32> to vector<1x1024xf32>
      %add3A_75 = arith.addf %slice3A_73, %slice3A_74 : vector<1x1024xf32>
      %slice3A_76 = vector.extract_strided_slice %add3A_69 {offsets = [1, 0], sizes = [1, 1024], strides = [1, 1]} : vector<8x1024xf32> to vector<1x1024xf32>
      %slice3A_77 = vector.extract_strided_slice %add3A_69 {offsets = [5, 0], sizes = [1, 1024], strides = [1, 1]} : vector<8x1024xf32> to vector<1x1024xf32>
      %add3A_78 = arith.addf %slice3A_76, %slice3A_77 : vector<1x1024xf32>
      %slice3A_79 = vector.extract_strided_slice %add3A_69 {offsets = [3, 0], sizes = [1, 1024], strides = [1, 1]} : vector<8x1024xf32> to vector<1x1024xf32>
      %slice3A_80 = vector.extract_strided_slice %add3A_69 {offsets = [7, 0], sizes = [1, 1024], strides = [1, 1]} : vector<8x1024xf32> to vector<1x1024xf32>
      %add3A_81 = arith.addf %slice3A_79, %slice3A_80 : vector<1x1024xf32>
      %add3A_82 = arith.addf %add3A_72, %add3A_75 : vector<1x1024xf32>
      %add3A_83 = arith.addf %add3A_78, %add3A_81 : vector<1x1024xf32>
      %add3A_84 = arith.addf %add3A_82, %add3A_83 : vector<1x1024xf32>
      %squeeze3A = vector.shape_cast %add3A_84 : vector<1x1024xf32> to vector<1024xf32>
      %jit3A = arith.constant 2 : i32
      %eq3A = arith.constant 0 : i32
      %eq3A_85 = arith.cmpi eq, %jit3A, %eq3A : i32
      %jit3A_86 = arith.constant 1 : i32
      %select_n3A = arith.select %eq3A_85, %jit3A_86, %jit3A : i32
      %rem3A = arith.remsi %arg0, %select_n3A : i32
      %ne3A = arith.constant 0 : i32
      %ne3A_87 = arith.cmpi ne, %rem3A, %ne3A : i32
      %lt3A_88 = arith.constant 0 : i32
      %lt3A_89 = arith.cmpi slt, %rem3A, %lt3A_88 : i32
      %lt3A_90 = arith.constant 0 : i32
      %lt3A_91 = arith.cmpi slt, %select_n3A, %lt3A_90 : i32
      %ne3A_92 = arith.xori %lt3A_89, %lt3A_91 : i1
      %and3A = arith.andi %ne3A_92, %ne3A_87 : i1
      %add3A_93 = arith.addi %rem3A, %select_n3A : i32
      %select_n3A_94 = arith.select %and3A, %add3A_93, %rem3A : i32
      %mul3A = arith.constant 1024 : i32
      %mul3A_95 = arith.muli %arg1, %mul3A : i32
      %swap3A = arith.index_cast %select_n3A_94 : i32 to index
      %swap3A_96 = arith.index_cast %mul3A_95 : i32 to index
      %swap3A_97 = vector.load %arg7[%swap3A, %swap3A_96] : memref<2x2048xf32, #tpu.memory_space<vmem>>, vector<1x1024xf32>
      %swap3A_98 = vector.shape_cast %swap3A_97 : vector<1x1024xf32> to vector<1024xf32>
      %swap3A_99 = vector.shape_cast %squeeze3A : vector<1024xf32> to vector<1x1024xf32>
      tpu.vector_store %arg7[%swap3A, %swap3A_96], %swap3A_99 {strides = array<i32>} : memref<2x2048xf32, #tpu.memory_space<vmem>>, vector<1x1024xf32>,
      %transpose3A_100 = tpu.transpose %add3A_84, [1, 0] : vector<1x1024xf32> -> vector<1024x1xf32>
      %squeeze3A_101 = vector.shape_cast %transpose3A_100 : vector<1024x1xf32> to vector<1024xf32>
      %jit3A_102 = arith.constant 2 : i32
      %eq3A_103 = arith.constant 0 : i32
      %eq3A_104 = arith.cmpi eq, %jit3A_102, %eq3A_103 : i32
      %jit3A_105 = arith.constant 1 : i32
      %select_n3A_106 = arith.select %eq3A_104, %jit3A_105, %jit3A_102 : i32
      %rem3A_107 = arith.remsi %arg0, %select_n3A_106 : i32
      %ne3A_108 = arith.constant 0 : i32
      %ne3A_109 = arith.cmpi ne, %rem3A_107, %ne3A_108 : i32
      %lt3A_110 = arith.constant 0 : i32
      %lt3A_111 = arith.cmpi slt, %rem3A_107, %lt3A_110 : i32
      %lt3A_112 = arith.constant 0 : i32
      %lt3A_113 = arith.cmpi slt, %select_n3A_106, %lt3A_112 : i32
      %ne3A_114 = arith.xori %lt3A_111, %lt3A_113 : i1
      %and3A_115 = arith.andi %ne3A_114, %ne3A_109 : i1
      %add3A_116 = arith.addi %rem3A_107, %select_n3A_106 : i32
      %select_n3A_117 = arith.select %and3A_115, %add3A_116, %rem3A_107 : i32
      %mul3A_118 = arith.constant 1024 : i32
      %mul3A_119 = arith.muli %arg1, %mul3A_118 : i32
      %swap3A_120 = arith.index_cast %select_n3A_117 : i32 to index
      %swap3A_121 = arith.index_cast %mul3A_119 : i32 to index
      %swap3A_122 = arith.constant 0 : index
      %swap3A_123 = vector.load %arg8[%swap3A_120, %swap3A_121, %swap3A_122] : memref<2x2048x1xf32, #tpu.memory_space<vmem>>, vector<1x1024x1xf32>
      %swap3A_124 = vector.shape_cast %swap3A_123 : vector<1x1024x1xf32> to vector<1024xf32>
      %swap3A_125 = vector.shape_cast %squeeze3A_101 : vector<1024xf32> to vector<1x1024x1xf32>
      tpu.vector_store %arg8[%swap3A_120, %swap3A_121, %swap3A_122], %swap3A_125 {strides = array<i32>} : memref<2x2048x1xf32, #tpu.memory_space<vmem>>, vector<1x1024x1xf32>,
    } else {
    }
    %gt3A = arith.constant 0 : i32
    %gt3A_2 = arith.cmpi sgt, %arg0, %gt3A : i32
    %convert_element_type3A_3 = arith.extui %gt3A_2 : i1 to i32
    %cond3A_4 = arith.constant 0 : i32
    %cond3A_5 = arith.cmpi ne, %convert_element_type3A_3, %cond3A_4 : i32
    scf.if %cond3A_5 {
      %sub3A = arith.constant 1 : i32
      %sub3A_6 = arith.subi %arg0, %sub3A : i32
      %jit3A = arith.constant 2 : i32
      %eq3A = arith.constant 0 : i32
      %eq3A_7 = arith.cmpi eq, %jit3A, %eq3A : i32
      %jit3A_8 = arith.constant 1 : i32
      %select_n3A = arith.select %eq3A_7, %jit3A_8, %jit3A : i32
      %rem3A = arith.remsi %sub3A_6, %select_n3A : i32
      %ne3A = arith.constant 0 : i32
      %ne3A_9 = arith.cmpi ne, %rem3A, %ne3A : i32
      %lt3A_10 = arith.constant 0 : i32
      %lt3A_11 = arith.cmpi slt, %rem3A, %lt3A_10 : i32
      %lt3A_12 = arith.constant 0 : i32
      %lt3A_13 = arith.cmpi slt, %select_n3A, %lt3A_12 : i32
      %ne3A_14 = arith.xori %lt3A_11, %lt3A_13 : i1
      %and3A = arith.andi %ne3A_14, %ne3A_9 : i1
      %add3A = arith.addi %rem3A, %select_n3A : i32
      %select_n3A_15 = arith.select %and3A, %add3A, %rem3A : i32
      %get3A = arith.index_cast %select_n3A_15 : i32 to index
      %get3A_16 = arith.constant 0 : index
      %get3A_17 = vector.load %arg7[%get3A, %get3A_16] : memref<2x2048xf32, #tpu.memory_space<vmem>>, vector<1x1024xf32>
      %get3A_18 = vector.shape_cast %get3A_17 : vector<1x1024xf32> to vector<1024xf32>
      %broadcast_in_dim3A = vector.shape_cast %get3A_18 : vector<1024xf32> to vector<1x1024xf32>
      %get3A_19 = arith.index_cast %select_n3A_15 : i32 to index
      %get3A_20 = arith.constant 1024 : index
      %get3A_21 = vector.load %arg7[%get3A_19, %get3A_20] : memref<2x2048xf32, #tpu.memory_space<vmem>>, vector<1x1024xf32>
      %get3A_22 = vector.shape_cast %get3A_21 : vector<1x1024xf32> to vector<1024xf32>
      %broadcast_in_dim3A_23 = vector.shape_cast %get3A_22 : vector<1024xf32> to vector<1x1024xf32>
      %mul3A = arith.constant 1024 : i32
      %mul3A_24 = arith.muli %arg1, %mul3A : i32
      %get3A_25 = arith.index_cast %select_n3A_15 : i32 to index
      %get3A_26 = arith.index_cast %mul3A_24 : i32 to index
      %get3A_27 = arith.constant 0 : index
      %get3A_28 = vector.load %arg8[%get3A_25, %get3A_26, %get3A_27] : memref<2x2048x1xf32, #tpu.memory_space<vmem>>, vector<1x1024x1xf32>
      %get3A_29 = vector.shape_cast %get3A_28 : vector<1x1024x1xf32> to vector<1024x1xf32>
      %get3A_30 = arith.constant 0 : index
      %get3A_31 = arith.constant 0 : index
      %get3A_32 = arith.constant 0 : index
      %get3A_33 = vector.load %arg3[%get3A_30, %get3A_31, %get3A_32] : memref<1x1024x1024xf32, #tpu.memory_space<vmem>>, vector<1x1024x1024xf32>
      %get3A_34 = vector.shape_cast %get3A_33 : vector<1x1024x1024xf32> to vector<1024x1024xf32>
      %broadcast_in_dim3A_35 = arith.constant 1.000000e+00 : f32
      %broadcast_in_dim3A_36 = vector.broadcast %broadcast_in_dim3A_35 : f32 to vector<1024x1xf32>
      %eq3A_37 = arith.constant 0 : i32
      %eq3A_38 = arith.cmpi eq, %arg1, %eq3A_37 : i32
      %convert_element_type3A_39 = arith.extui %eq3A_38 : i1 to i32
      %cond3A_40 = arith.constant 0 : i32
      %cond3A_41 = arith.cmpi ne, %convert_element_type3A_39, %cond3A_40 : i32
      scf.if %cond3A_41 {
        %eq3A_47 = vector.broadcast %broadcast_in_dim3A : vector<1x1024xf32> to vector<1024x1024xf32>
        %eq3A_48 = vector.broadcast %get3A_29 : vector<1024x1xf32> to vector<1024x1024xf32>
        %eq3A_49 = arith.cmpf oeq, %eq3A_47, %eq3A_48 : vector<1024x1024xf32>
        %gt3A_50 = vector.broadcast %broadcast_in_dim3A : vector<1x1024xf32> to vector<1024x1024xf32>
        %gt3A_51 = vector.broadcast %get3A_29 : vector<1024x1xf32> to vector<1024x1024xf32>
        %gt3A_52 = arith.cmpf ogt, %gt3A_50, %gt3A_51 : vector<1024x1024xf32>
        %convert_element_type3A_53 = arith.extui %gt3A_52 : vector<1024x1024xi1> to vector<1024x1024xi32>
        %convert_element_type3A_54 = arith.sitofp %convert_element_type3A_53 : vector<1024x1024xi32> to vector<1024x1024xf32>
        %select_n3A_55 = arith.select %eq3A_49, %get3A_34, %convert_element_type3A_54 : vector<1024x1024xi1>, vector<1024x1024xf32>
        %gt3A_56 = vector.broadcast %broadcast_in_dim3A_23 : vector<1x1024xf32> to vector<1024x1024xf32>
        %gt3A_57 = vector.broadcast %get3A_29 : vector<1024x1xf32> to vector<1024x1024xf32>
        %gt3A_58 = arith.cmpf ogt, %gt3A_56, %gt3A_57 : vector<1024x1024xf32>
        %convert_element_type3A_59 = arith.extui %gt3A_58 : vector<1024x1024xi1> to vector<1024x1024xi32>
        %convert_element_type3A_60 = arith.sitofp %convert_element_type3A_59 : vector<1024x1024xi32> to vector<1024x1024xf32>
        %dot_general3A = arith.constant dense<0.000000e+00> : vector<1024x1xf32>
        %dot_general3A_61 = tpu.matmul %select_n3A_55, %broadcast_in_dim3A_36, %dot_general3A {dimension_numbers = #tpu.dot_dimension_numbers<[1], [0], [0], [1], [0, 0, 1, 1], [], []>, transpose_lhs_hint = false} : vector<1024x1024xf32>, vector<1024x1xf32>, vector<1024x1xf32> -> vector<1024x1xf32>
        %dot_general3A_62 = arith.constant dense<0.000000e+00> : vector<1024x1xf32>
        %dot_general3A_63 = tpu.matmul %convert_element_type3A_60, %broadcast_in_dim3A_36, %dot_general3A_62 {dimension_numbers = #tpu.dot_dimension_numbers<[1], [0], [0], [1], [0, 0, 1, 1], [], []>, transpose_lhs_hint = false} : vector<1024x1024xf32>, vector<1024x1xf32>, vector<1024x1xf32> -> vector<1024x1xf32>
        %add3A_64 = arith.addf %dot_general3A_61, %dot_general3A_63 : vector<1024x1xf32>
        %convert_element_type3A_65 = arith.fptosi %add3A_64 : vector<1024x1xf32> to vector<1024x1xi32>
        %squeeze3A = vector.shape_cast %convert_element_type3A_65 : vector<1024x1xi32> to vector<1024xi32>
        %swap3A = arith.constant 0 : index
        %swap3A_66 = arith.constant 0 : index
        %swap3A_67 = arith.constant 0 : index
        %swap3A_68 = vector.load %arg4[%swap3A, %swap3A_66, %swap3A_67] : memref<1x1024x1xi32, #tpu.memory_space<vmem>>, vector<1x1024x1xi32>
        %swap3A_69 = vector.shape_cast %swap3A_68 : vector<1x1024x1xi32> to vector<1024xi32>
        %swap3A_70 = vector.shape_cast %squeeze3A : vector<1024xi32> to vector<1x1024x1xi32>
        tpu.vector_store %arg4[%swap3A, %swap3A_66, %swap3A_67], %swap3A_70 {strides = array<i32>} : memref<1x1024x1xi32, #tpu.memory_space<vmem>>, vector<1x1024x1xi32>,
        %sub3A_71 = arith.constant 1 : i32
        %sub3A_72 = arith.subi %arg0, %sub3A_71 : i32
        %mul3A_73 = arith.constant 2048 : i32
        %mul3A_74 = arith.muli %sub3A_72, %mul3A_73 : i32
        %add3A_75 = vector.broadcast %mul3A_74 : i32 to vector<1024xi32>
        %add3A_76 = arith.addi %squeeze3A, %add3A_75 : vector<1024xi32>
        %swap3A_77 = arith.constant 0 : index
        %swap3A_78 = arith.constant 0 : index
        %swap3A_79 = arith.constant 0 : index
        %swap3A_80 = vector.load %arg5[%swap3A_77, %swap3A_78, %swap3A_79] : memref<1x1024x1xi32, #tpu.memory_space<vmem>>, vector<1x1024x1xi32>
        %swap3A_81 = vector.shape_cast %swap3A_80 : vector<1x1024x1xi32> to vector<1024xi32>
        %swap3A_82 = vector.shape_cast %add3A_76 : vector<1024xi32> to vector<1x1024x1xi32>
        tpu.vector_store %arg5[%swap3A_77, %swap3A_78, %swap3A_79], %swap3A_82 {strides = array<i32>} : memref<1x1024x1xi32, #tpu.memory_space<vmem>>, vector<1x1024x1xi32>,
        %sub3A_83 = arith.constant 1 : i32
        %sub3A_84 = arith.subi %arg0, %sub3A_83 : i32
        %rem3A_85 = arith.constant 4 : i32
        %rem3A_86 = arith.remsi %sub3A_84, %rem3A_85 : i32
        %mul3A_87 = arith.constant 2048 : i32
        %mul3A_88 = arith.muli %rem3A_86, %mul3A_87 : i32
        %add3A_89 = vector.broadcast %mul3A_88 : i32 to vector<1024xi32>
        %add3A_90 = arith.addi %squeeze3A, %add3A_89 : vector<1024xi32>
        %swap3A_91 = arith.constant 0 : index
        %swap3A_92 = arith.constant 0 : index
        %swap3A_93 = arith.constant 0 : index
        %swap3A_94 = vector.load %arg6[%swap3A_91, %swap3A_92, %swap3A_93] : memref<1x1024x1xi32, #tpu.memory_space<vmem>>, vector<1x1024x1xi32>
        %swap3A_95 = vector.shape_cast %swap3A_94 : vector<1x1024x1xi32> to vector<1024xi32>
        %swap3A_96 = vector.shape_cast %add3A_90 : vector<1024xi32> to vector<1x1024x1xi32>
        tpu.vector_store %arg6[%swap3A_91, %swap3A_92, %swap3A_93], %swap3A_96 {strides = array<i32>} : memref<1x1024x1xi32, #tpu.memory_space<vmem>>, vector<1x1024x1xi32>,
      } else {
      }
      %eq3A_42 = arith.constant 1 : i32
      %eq3A_43 = arith.cmpi eq, %arg1, %eq3A_42 : i32
      %convert_element_type3A_44 = arith.extui %eq3A_43 : i1 to i32
      %cond3A_45 = arith.constant 0 : i32
      %cond3A_46 = arith.cmpi ne, %convert_element_type3A_44, %cond3A_45 : i32
      scf.if %cond3A_46 {
        %ge3A = vector.broadcast %broadcast_in_dim3A : vector<1x1024xf32> to vector<1024x1024xf32>
        %ge3A_47 = vector.broadcast %get3A_29 : vector<1024x1xf32> to vector<1024x1024xf32>
        %ge3A_48 = arith.cmpf oge, %ge3A, %ge3A_47 : vector<1024x1024xf32>
        %convert_element_type3A_49 = arith.extui %ge3A_48 : vector<1024x1024xi1> to vector<1024x1024xi32>
        %convert_element_type3A_50 = arith.sitofp %convert_element_type3A_49 : vector<1024x1024xi32> to vector<1024x1024xf32>
        %eq3A_51 = vector.broadcast %broadcast_in_dim3A_23 : vector<1x1024xf32> to vector<1024x1024xf32>
        %eq3A_52 = vector.broadcast %get3A_29 : vector<1024x1xf32> to vector<1024x1024xf32>
        %eq3A_53 = arith.cmpf oeq, %eq3A_51, %eq3A_52 : vector<1024x1024xf32>
        %gt3A_54 = vector.broadcast %broadcast_in_dim3A_23 : vector<1x1024xf32> to vector<1024x1024xf32>
        %gt3A_55 = vector.broadcast %get3A_29 : vector<1024x1xf32> to vector<1024x1024xf32>
        %gt3A_56 = arith.cmpf ogt, %gt3A_54, %gt3A_55 : vector<1024x1024xf32>
        %convert_element_type3A_57 = arith.extui %gt3A_56 : vector<1024x1024xi1> to vector<1024x1024xi32>
        %convert_element_type3A_58 = arith.sitofp %convert_element_type3A_57 : vector<1024x1024xi32> to vector<1024x1024xf32>
        %select_n3A_59 = arith.select %eq3A_53, %get3A_34, %convert_element_type3A_58 : vector<1024x1024xi1>, vector<1024x1024xf32>
        %dot_general3A = arith.constant dense<0.000000e+00> : vector<1024x1xf32>
        %dot_general3A_60 = tpu.matmul %convert_element_type3A_50, %broadcast_in_dim3A_36, %dot_general3A {dimension_numbers = #tpu.dot_dimension_numbers<[1], [0], [0], [1], [0, 0, 1, 1], [], []>, transpose_lhs_hint = false} : vector<1024x1024xf32>, vector<1024x1xf32>, vector<1024x1xf32> -> vector<1024x1xf32>
        %dot_general3A_61 = arith.constant dense<0.000000e+00> : vector<1024x1xf32>
        %dot_general3A_62 = tpu.matmul %select_n3A_59, %broadcast_in_dim3A_36, %dot_general3A_61 {dimension_numbers = #tpu.dot_dimension_numbers<[1], [0], [0], [1], [0, 0, 1, 1], [], []>, transpose_lhs_hint = false} : vector<1024x1024xf32>, vector<1024x1xf32>, vector<1024x1xf32> -> vector<1024x1xf32>
        %add3A_63 = arith.addf %dot_general3A_60, %dot_general3A_62 : vector<1024x1xf32>
        %convert_element_type3A_64 = arith.fptosi %add3A_63 : vector<1024x1xf32> to vector<1024x1xi32>
        %squeeze3A = vector.shape_cast %convert_element_type3A_64 : vector<1024x1xi32> to vector<1024xi32>
        %swap3A = arith.constant 0 : index
        %swap3A_65 = arith.constant 0 : index
        %swap3A_66 = arith.constant 0 : index
        %swap3A_67 = vector.load %arg4[%swap3A, %swap3A_65, %swap3A_66] : memref<1x1024x1xi32, #tpu.memory_space<vmem>>, vector<1x1024x1xi32>
        %swap3A_68 = vector.shape_cast %swap3A_67 : vector<1x1024x1xi32> to vector<1024xi32>
        %swap3A_69 = vector.shape_cast %squeeze3A : vector<1024xi32> to vector<1x1024x1xi32>
        tpu.vector_store %arg4[%swap3A, %swap3A_65, %swap3A_66], %swap3A_69 {strides = array<i32>} : memref<1x1024x1xi32, #tpu.memory_space<vmem>>, vector<1x1024x1xi32>,
        %sub3A_70 = arith.constant 1 : i32
        %sub3A_71 = arith.subi %arg0, %sub3A_70 : i32
        %mul3A_72 = arith.constant 2048 : i32
        %mul3A_73 = arith.muli %sub3A_71, %mul3A_72 : i32
        %add3A_74 = vector.broadcast %mul3A_73 : i32 to vector<1024xi32>
        %add3A_75 = arith.addi %squeeze3A, %add3A_74 : vector<1024xi32>
        %swap3A_76 = arith.constant 0 : index
        %swap3A_77 = arith.constant 0 : index
        %swap3A_78 = arith.constant 0 : index
        %swap3A_79 = vector.load %arg5[%swap3A_76, %swap3A_77, %swap3A_78] : memref<1x1024x1xi32, #tpu.memory_space<vmem>>, vector<1x1024x1xi32>
        %swap3A_80 = vector.shape_cast %swap3A_79 : vector<1x1024x1xi32> to vector<1024xi32>
        %swap3A_81 = vector.shape_cast %add3A_75 : vector<1024xi32> to vector<1x1024x1xi32>
        tpu.vector_store %arg5[%swap3A_76, %swap3A_77, %swap3A_78], %swap3A_81 {strides = array<i32>} : memref<1x1024x1xi32, #tpu.memory_space<vmem>>, vector<1x1024x1xi32>,
        %sub3A_82 = arith.constant 1 : i32
        %sub3A_83 = arith.subi %arg0, %sub3A_82 : i32
        %rem3A_84 = arith.constant 4 : i32
        %rem3A_85 = arith.remsi %sub3A_83, %rem3A_84 : i32
        %mul3A_86 = arith.constant 2048 : i32
        %mul3A_87 = arith.muli %rem3A_85, %mul3A_86 : i32
        %add3A_88 = vector.broadcast %mul3A_87 : i32 to vector<1024xi32>
        %add3A_89 = arith.addi %squeeze3A, %add3A_88 : vector<1024xi32>
        %swap3A_90 = arith.constant 0 : index
        %swap3A_91 = arith.constant 0 : index
        %swap3A_92 = arith.constant 0 : index
        %swap3A_93 = vector.load %arg6[%swap3A_90, %swap3A_91, %swap3A_92] : memref<1x1024x1xi32, #tpu.memory_space<vmem>>, vector<1x1024x1xi32>
        %swap3A_94 = vector.shape_cast %swap3A_93 : vector<1x1024x1xi32> to vector<1024xi32>
        %swap3A_95 = vector.shape_cast %add3A_89 : vector<1024xi32> to vector<1x1024x1xi32>
        tpu.vector_store %arg6[%swap3A_90, %swap3A_91, %swap3A_92], %swap3A_95 {strides = array<i32>} : memref<1x1024x1xi32, #tpu.memory_space<vmem>>, vector<1x1024x1xi32>,
      } else {
      }
    } else {
    }
    return
  }
  func.func @transform_0(%arg0: i32, %arg1: i32) -> (i32, i32, i32) {
    %lt3A = arith.constant 8 : i32
    %lt3A_0 = arith.cmpi slt, %arg0, %lt3A : i32
    %jit3A = arith.constant 7 : i32
    %select_n3A = arith.select %lt3A_0, %arg0, %jit3A : i32
    %lt3A_1 = arith.constant 8 : i32
    %lt3A_2 = arith.cmpi slt, %arg0, %lt3A_1 : i32
    %jit3A_3 = arith.constant 1 : i32
    %select_n3A_4 = arith.select %lt3A_2, %arg1, %jit3A_3 : i32
    %c0_i32 = arith.constant 0 : i32
    %c0_i32_5 = arith.constant 0 : i32
    return %select_n3A, %select_n3A_4, %c0_i32 : i32, i32, i32
  }
  func.func @transform_1(%arg0: i32, %arg1: i32) -> (i32, i32, i32) {
    %c0_i32 = arith.constant 0 : i32
    %c0_i32_0 = arith.constant 0 : i32
    %c0_i32_1 = arith.constant 0 : i32
    %c0_i32_2 = arith.constant 0 : i32
    return %c0_i32, %c0_i32_0, %c0_i32_1 : i32, i32, i32
  }
  func.func @transform_2(%arg0: i32, %arg1: i32) -> (i32, i32, i32) {
    %mul3A = arith.constant 2 : i32
    %mul3A_0 = arith.muli %arg0, %mul3A : i32
    %add3A = arith.addi %mul3A_0, %arg1 : i32
    %c0_i32 = arith.constant 0 : i32
    %c0_i32_1 = arith.constant 0 : i32
    %c0_i32_2 = arith.constant 0 : i32
    return %add3A, %c0_i32, %c0_i32_1 : i32, i32, i32
  }
  func.func @transform_3(%arg0: i32, %arg1: i32) -> (i32, i32, i32) {
    %mul3A = arith.constant 2 : i32
    %mul3A_0 = arith.muli %arg0, %mul3A : i32
    %add3A = arith.addi %mul3A_0, %arg1 : i32
    %c0_i32 = arith.constant 0 : i32
    %c0_i32_1 = arith.constant 0 : i32
    %c0_i32_2 = arith.constant 0 : i32
    return %add3A, %c0_i32, %c0_i32_1 : i32, i32, i32
  }
  func.func @transform_4(%arg0: i32, %arg1: i32) -> (i32, i32, i32) {
    %mul3A = arith.constant 2 : i32
    %mul3A_0 = arith.muli %arg0, %mul3A : i32
    %add3A = arith.addi %mul3A_0, %arg1 : i32
    %c0_i32 = arith.constant 0 : i32
    %c0_i32_1 = arith.constant 0 : i32
    %c0_i32_2 = arith.constant 0 : i32
    return %add3A, %c0_i32, %c0_i32_1 : i32, i32, i32
  }
}

</mosaic_0001>

<sc_bundles>
// kernel: kernel.4.cloned.1.call-start
scs
__scs_entry_jumppad:
0x0: {  	(pc) =	sbr.rel $0x88, $3  }
0x1: {  	(tag) =	ssettag $0x0;
	lr =	simm.s32 $0x1  }
0x2: {  	[smem:$0x3F9F] =	sst lr;
	_ =	strace $0xD0000000  }
0x3: {  	_ = 	snop  }
0x4: {  	_ = 	snop  }
0x5: {  	_ = 	snop  }
0x6: {  	_ = 	snop  }
0x7: {  	_ = 	snop  }
__scs_overlays_trampoline_lowered:
0x8: {  	[smem:$0x3FAE] =	sst s0  }
0x9: {  	[smem:$0x3FAF] =	sst s1  }
0xa: {  	[smem:$0x3FB0] =	sst s2  }
0xb: {  	[smem:$0x3FB1] =	sst s3  }
0xc: {  	[smem:$0x3FB2] =	sst s4  }
0xd: {  	[smem:$0x3FB3] =	sst s5  }
0xe: {  	[smem:$0x3FB4] =	sst s6  }
0xf: {  	[smem:$0x3FB5] =	sst s7  }
0x10: {  	[smem:$0x3FB6] =	sst s8  }
0x11: {  	[smem:$0x3FB7] =	sst s9;
	s0 =	simm.s32 @!p0 $0x0  }
0x12: {  	s1 =	sld [smem:$0x3F9D];
	s0 =	simm.s32 @p0 $0x1  }
0x13: {  	[smem:$0x3FB8] =	sst s0;
	s0 =	simm.s32 @!p1 $0x0  }
0x14: {  	s2 =	sld [smem:$0x3F9C];
	s0 =	simm.s32 @p1 $0x1  }
0x15: {  	[smem:$0x3FB9] =	sst s0;
	s0 =	simm.s32 @!p2 $0x0  }
0x16: {  	s3 =	sld [smem:$0x3FDB];
	s0 =	simm.s32 @p2 $0x1  }
0x17: {  	s4 =	simm.s32 $0x1BF5;
	[smem:$0x3FBB] =	sst s0  }
0x18: {  	s0 =	sld [smem:$0x3F9E];
	_ =	swait.ge [sflag:s4], $0x0  }
0x19: {  	s7 =	sld [smem:$0x3F9F]  }
0x1a: {  	s8 =	sadd.s32 $0xFFFFE003, lr  }
0x1b: {  	s9 =	sadd.s32 $0xFFFFFEF7, lr;
	s5 =	simm.s32 $0xFFFFFFFF;
	p2 =	slt.u32 s8, $0xFFFFF086  }
0x1c: {  	p1 =	slt.u32 s9, $0xF7A;
	s5 =	simm.s32 @!p2 $0x0  }
0x1d: {  	s5 =	simm.s32 @p1 $0x1;
	p0 =	seq.s32 s7, s2  }
0x1e: {  	s7 =	smul.u32 @!p0 $0xF7A, s2;
	p2 =	seq.s32 @!p0 s5, $0x0  }
0x1f: {  	s9 =	smul.u32 $0xF7A, s1;
	s8 =	simm.s32 @!p0 $0x1BF5;
	p2 =	por !p2, p0  }
0x20: {  	[sflag:s8] =	ssyncset.s32 @!p0 $0xFFFFF086;
	s6 =	sadd.s32 @!p0 s3, s7;
	s7 =	simm.s32 @!p0 $0x108  }
0x21: {  	s3 =	sadd.s32 s3, s9;
	s6 =	sadd.s32 @!p0 $0x88, s6;
	s7 =	simm.s32 @p2 $0x1082  }
0x22: {  	[simem:s7], [sflag:s8] =	dma.local @!p0 [hbm:s6], $0xF7A  }
0x23: {  	s9 =	sor.u32 $0xD0000000, s2;
	s6 =	simm.s32 $0x108;
	_ =	swait.ge @!p0 [sflag:s8], $0x0  }
0x24: {  	s3 =	sadd.s32 $0x88, s3;
	s6 =	simm.s32 @!p1 $0x1082;
	[sflag:s4] =	ssyncset.s32 $0xFFFFF086  }
0x25: {  	[simem:s6], [sflag:s4] =	dma.local [hbm:s3], $0xF7A  }
0x26: {  	[smem:$0x3F9F] =	sst s1;
	(tag) =	ssettag s2;
	_ =	strace s9  }
0x27: {  	s1 =	sld [smem:$0x3FAF]  }
0x28: {  	s2 =	sld [smem:$0x3FB0]  }
0x29: {  	s4 =	sld [smem:$0x3FB2]  }
0x2a: {  	p0 =	seq.s32 s5, $0x0;
	s5 =	sld [smem:$0x3FB3]  }
0x2b: {  	s6 =	sld [smem:$0x3FB4]  }
0x2c: {  	s7 =	sld [smem:$0x3FB5]  }
0x2d: {  	s3 =	simm.s32 $0x108;
	s8 =	sld [smem:$0x3FB6]  }
0x2e: {  	s3 =	simm.s32 @!p0 $0x1082;
	s9 =	sld [smem:$0x3FB7]  }
0x2f: {  	lr =	sadd.s32 s0, s3;
	s0 =	sld [smem:$0x3FAE]  }
0x30: {  	s3 =	sld [smem:$0x3FB1]  }
0x31: {  	[smem:$0x3FBA] =	sst s10  }
0x32: {  	s10 =	sld [smem:$0x3FB8];
	_ =	sdelay $0x3  }
0x33: {  	p0 =	seq.s32 s10, $0x1;
	s10 =	sld [smem:$0x3FBA];
	_ =	sdelay $0x3  }
0x34: {  	[smem:$0x3FBA] =	sst s10  }
0x35: {  	s10 =	sld [smem:$0x3FB9];
	_ =	sdelay $0x3  }
0x36: {  	p1 =	seq.s32 s10, $0x1;
	s10 =	sld [smem:$0x3FBA];
	_ =	sdelay $0x3  }
0x37: {  	[smem:$0x3FBA] =	sst s10  }
0x38: {  	s10 =	sld [smem:$0x3FBB]  }
0x39: {  	_ = 	snop;
	(pc) =	sbr.ind lr, $3  }
0x3a: {  	_ = 	snop  }
0x3b: {  	_ = 	snop  }
0x3c: {  	p2 =	seq.s32 s10, $0x1;
	s10 =	sld [smem:$0x3FBA]  }
0x3d: {  	_ =	shalt  }
0x3e: {  	_ =	shalt  }
0x3f: {  	_ =	shalt  }
0x40: {  	_ =	shalt  }
0x41: {  	_ =	shalt  }
0x42: {  	_ =	shalt  }
0x43: {  	_ =	shalt  }
0x44: {  	_ =	shalt  }
0x45: {  	_ =	shalt  }
0x46: {  	_ =	shalt  }
0x47: {  	_ =	shalt  }
0x48: {  	_ =	shalt  }
0x49: {  	_ =	shalt  }
0x4a: {  	_ =	shalt  }
0x4b: {  	_ =	shalt  }
0x4c: {  	_ =	shalt  }
0x4d: {  	_ =	shalt  }
0x4e: {  	_ =	shalt  }
0x4f: {  	_ =	shalt  }
0x50: {  	_ =	shalt  }
0x51: {  	_ =	shalt  }
0x52: {  	_ =	shalt  }
0x53: {  	_ =	shalt  }
0x54: {  	_ =	shalt  }
0x55: {  	_ =	shalt  }
0x56: {  	_ =	shalt  }
0x57: {  	_ =	shalt  }
0x58: {  	_ =	shalt  }
0x59: {  	_ =	shalt  }
0x5a: {  	_ =	shalt  }
0x5b: {  	_ =	shalt  }
0x5c: {  	_ =	shalt  }
0x5d: {  	_ =	shalt  }
0x5e: {  	_ =	shalt  }
0x5f: {  	_ =	shalt  }
0x60: {  	_ =	shalt  }
0x61: {  	_ =	shalt  }
0x62: {  	_ =	shalt  }
0x63: {  	_ =	shalt  }
0x64: {  	_ =	shalt  }
0x65: {  	_ =	shalt  }
0x66: {  	_ =	shalt  }
0x67: {  	_ =	shalt  }
0x68: {  	_ =	shalt  }
0x69: {  	_ =	shalt  }
0x6a: {  	_ =	shalt  }
0x6b: {  	_ =	shalt  }
0x6c: {  	_ =	shalt  }
0x6d: {  	_ =	shalt  }
0x6e: {  	_ =	shalt  }
0x6f: {  	_ =	shalt  }
0x70: {  	_ =	shalt  }
0x71: {  	_ =	shalt  }
0x72: {  	_ =	shalt  }
0x73: {  	_ =	shalt  }
0x74: {  	_ =	shalt  }
0x75: {  	_ =	shalt  }
0x76: {  	_ =	shalt  }
0x77: {  	_ =	shalt  }
0x78: {  	_ =	shalt  }
0x79: {  	_ =	shalt  }
0x7a: {  	_ =	shalt  }
0x7b: {  	_ =	shalt  }
0x7c: {  	_ =	shalt  }
0x7d: {  	_ =	shalt  }
0x7e: {  	_ =	shalt  }
0x7f: {  	_ =	shalt  }
0x80: {  	_ =	shalt  }
0x81: {  	_ =	shalt  }
0x82: {  	_ =	shalt  }
0x83: {  	_ =	shalt  }
0x84: {  	_ =	shalt  }
0x85: {  	_ =	shalt  }
0x86: {  	_ =	shalt  }
0x87: {  	_ =	shalt  }
.Lfunc_end0:
.L_simem_size_0:
called_computation_lowered:
.L_overlay_start_0:
0x88: {  	s2 =	sld [smem:$0x3FD9]  }
0x89: {  	s3 =	sld [smem:$0x3FFE];
	_ =	sdelay $0x1  }
0x8a: {  	s1 =	srdreg.scid  }
0x8b: {  	s0 =	sand.u32 $0x1, s1  }
0x8c: {  	s14 =	sshll.u32 s0, $0xA;
	s2 =	sadd.s32 s3, s2  }
0x8d: {  	s2 =	sadd.s32 s2, s14  }
0x8e: {  	[smem:$0x3FC6] =	sst s2  }
0x8f: {  	_ = 	snop  }
0x90: {  	s2 =	sld [smem:$0x3FD0];
	_ =	sdelay $0x2  }
0x91: {  	s4 =	simm.s32 $0xA;
	s5 =	simm.s32 $0x10;
	s15 =	sld [smem:$0x3FC9]  }
0x92: {  	[smem:s5], [sflag:s4] =	dma.local [hbm:s2], $0x1  }
0x93: {  	_ =	swait.eq [sflag:s4], $0x1  }
0x94: {  	[sflag:s4] =	ssyncset.done $0x0  }
0x95: {  	s16 =	sld [smem:$0x10];
	[sflag:s4] =	ssyncadd.s32 $0xFFFFFFFF  }
0x96: {  	s17 =	sld [smem:$0x11];
	(tm) =	ssettm $0x1  }
0x97: {  	s18 =	sld [smem:$0x3FFB];
	_ =	sdelay $0x3  }
0x98: {  	_ =	strace s18  }
0x99: {  	s5 =	sld [smem:$0x3FFC];
	_ =	sdelay $0x3  }
0x9a: {  	_ =	strace s5  }
0x9b: {  	s5 =	sld [smem:$0x3FFD];
	_ =	sdelay $0x3  }
0x9c: {  	_ =	strace s5  }
0x9d: {  	_ =	strace $0x8FFFFFFF  }
0x9e: {  	s19 =	sld [smem:$0x3FDB];
	_ =	sdelay $0x1  }
0x9f: {  	s6 =	simm.s32 $_scs_section_size  }
0xa0: {  	s7 =	simm.s32 $_size__tile_overlayer_lowered;
	s8 =	simm.s32 $_tile_overlayer_lowered  }
0xa1: {  	s22 =	simm.s32 $0x1BFF;
	s21 =	sshll.u32 s8, $0x1;
	s5 =	sadd.s32 s6, s19  }
0xa2: {  	s9 =	simm.s32 $0x0;
	s20 =	sshll.u32 s7, $0x1;
	s7 =	sadd.s32 s21, s5  }
0xa3: {  	[timem:s9], [sflag:s22] =	dma.local [hbm:s7], s20  }
0xa4: {  	_ =	swait.ge [sflag:s22], s20  }
0xa5: {  	s6 =	ssub.s32 $0x0, s20;
	[sflag:s22] =	ssyncset.done $0x0  }
0xa6: {  	[sflag:s22] =	ssyncadd.s32 s6;
	_ =	sdelay $0x1  }
0xa7: {  	s23 =	simm.s32 $0x1B8B  }
0xa8: {  	_ =	swait.ge [sflag:s23], $0x1  }
0xa9: {  	[sflag:s23] =	ssyncset.done $0x0  }
0xaa: {  	s25 =	simm.s32 $0x1B8E;
	s24 =	sld [smem:$0x3FFE];
	[sflag:s23] =	ssyncadd.s32 $0xFFFFFFFF  }
0xab: {  	s26 =	simm.s32 $execute0_lowered;
	[smem:$0x3FD2] =	sst s25  }
0xac: {  	s7 =	sshll.u32 s26, $0x1;
	_ =	strace $0x80000046;
	[dreg:$0x1] =	wrdreg $0xFFFFFFFF  }
0xad: {  	s28 =	simm.s32 $_size_execute0_lowered;
	s5 =	sadd.s32 s5, s7;
	[dreg:$0x0] =	wrdreg $0x0  }
0xae: {  	s7 =	sshll.u32 s28, $0x1;
	[dreg:$0x2] =	wrdreg s5  }
0xaf: {  	[dreg:$0x3] =	wrdreg s7  }
0xb0: {  	[dreg:$0x4] =	wrdreg $0xC0  }
0xb1: {  	_ =	task [dreg:s9], $0x5FFFF  }
0xb2: {  	[dreg:$0x1] =	wrdreg $0xFFFFFFFF  }
0xb3: {  	[dreg:$0x0] =	wrdreg $0x60  }
0xb4: {  	[dreg:$0x2] =	wrdreg s15  }
0xb5: {  	[dreg:$0x3] =	wrdreg s17  }
0xb6: {  	[dreg:$0x4] =	wrdreg s24  }
0xb7: {  	[dreg:$0x5] =	wrdreg s16  }
0xb8: {  	[dreg:$0x6] =	wrdreg $0x8000  }
0xb9: {  	[dreg:$0x7] =	wrdreg $0x9  }
0xba: {  	_ =	task.clear_ibuf [dreg:s9], $0x8FFFF;
	_ =	strace $0x90000046  }
0xbb: {  	s29 =	simm.s32 $0x9;
	_ =	strace $0x80000048  }
0xbc: {  	_ =	swait.ge [sflag:s29], $0x1  }
0xbd: {  	[sflag:s29] =	ssyncadd.s32 $0xFFFFFFFF  }
0xbe: {  	_ =	strace $0x90000048  }
0xbf: {  	_ =	sfence  }
0xc0: {  	s30 =	sld [smem:$0x0];
	_ =	sdelay $0x2  }
0xc1: {  	s31 =	sshll.u32 s1, $0xD;
	s1 =	sshrl.u32 s1, $0x2  }
0xc2: {  	s3 =	sand.u32 $0x4000, s31;
	s1 =	sadd.s32 s1, s30  }
0xc3: {  	s0 =	sor.u32 s3, s0;
	s1 =	sshll.u32 s1, $0x11  }
0xc4: {  	s0 =	sor.u32 s1, s0  }
0xc5: {  	s0 =	sadd.s32 $0x8F2B, s0  }
0xc6: {  	[sflag:s0] =	ssyncadd.remote.s32 $0x1  }
0xc7: {  	_ =	sfence.sel $0xFFFF  }
0xc8: {  	[dreg:$0x0] =	wrdreg $0xFFFFFFFF;
	(pc) =	sbr.abs _section_cstart, $3  }
0xc9: {  	[dreg:$0x1] =	wrdreg $0xFFFFFFFF  }
0xca: {  	_ =	task.clear_ibuf [dreg:s9], $0x2FFFF;
	_ =	strace $0x9FFFFFFF  }
0xcb: {  	(tm) =	ssettm $0x7FFFFFFF  }
tec
execute0_lowered:
.L_overlay_start_1:
0x0: {  	(tag) =	ssettag $0x1  }
0x1: {  	s0 =	rddreg [dreg:$0x0]  }
0x2: {  	s1 =	rddreg [dreg:$0x1];
	s2 =	srdreg.scid  }
0x3: {  	s6 =	rddreg [dreg:$0x2];
	s3 =	stileid.u32;
	s7 =	sand.u32 $0x1, s2  }
0x4: {  	s2 =	rddreg [dreg:$0x3];
	s8 =	sshll.u32 s3, $0x9;
	s4 =	sshll.u32 s7, $0xD  }
0x5: {  	s3 =	rddreg [dreg:$0x4];
	s9 =	sor.u32 s8, s4;
	s4 =	simm.s32 $0x0  }
0x6: {  	s10 =	sadd.s32 s8, s3;
	[smem:$0x7FF] =	sst s4  }
0x7: {  	s12 =	simm.s32 $0x280;
	_ =	strace $0x80000047;
	[dreg:$0xb] =	wrdreg s10  }
0x8: {  	s13 =	simm.s32 $0x480;
	[dreg:$0xd] =	wrdreg s12  }
0x9: {  	s14 =	simm.s32 $0x300;
	[dreg:$0xe] =	wrdreg s13  }
0xa: {  	s15 =	simm.s32 $0x500;
	[dreg:$0xf] =	wrdreg s14  }
0xb: {  	s16 =	simm.s32 $0x380;
	[dreg:$0x10] =	wrdreg s15  }
0xc: {  	s17 =	simm.s32 $0x580;
	[dreg:$0x11] =	wrdreg s16  }
0xd: {  	s18 =	simm.s32 $0x9200;
	[dreg:$0x12] =	wrdreg s17  }
0xe: {  	s19 =	simm.s32 $0x9A00;
	[dreg:$0x13] =	wrdreg s18  }
0xf: {  	s20 =	simm.s32 $0xA200;
	[dreg:$0x14] =	wrdreg s19  }
0x10: {  	s21 =	simm.s32 $0xAA00;
	[dreg:$0x15] =	wrdreg s20  }
0x11: {  	s22 =	simm.s32 $0xB200;
	s23 =	simm.s32 $0xBA00;
	[dreg:$0x16] =	wrdreg s21  }
0x12: {  	s5 =	sshll.u32 s9, $0x5;
	s9 =	sshrl.u32 s9, $0x3;
	[dreg:$0x17] =	wrdreg s22  }
0x13: {  	s25 =	sadd.s32 s1, s9;
	[dreg:$0x18] =	wrdreg s23  }
0x14: {  	s5 =	sadd.s32 s0, s5;
	[dreg:$0x8] =	wrdreg s25  }
0x15: {  	s26 =	sadd.s32 s6, s9;
	[smem:$0x7EB] =	sst s5  }
0x16: {  	s1 =	simm.s32 $0xDA00;
	[smem:$0x7EC] =	sst s26  }
0x17: {  	s10 =	simm.s32 $0xFA00;
	[dreg:$0x1c] =	wrdreg s1  }
0x18: {  	s12 =	simm.s32 $0x11200;
	[smem:$0x7ED] =	sst s10  }
0x19: {  	s13 =	simm.s32 $0x11A00;
	[smem:$0x7EF] =	sst s12  }
0x1a: {  	s14 =	simm.s32 $0x12200;
	[smem:$0x7F0] =	sst s13  }
0x1b: {  	s15 =	simm.s32 $0x12A00;
	[smem:$0x7F1] =	sst s14  }
0x1c: {  	s16 =	simm.s32 $0x13200;
	[smem:$0x7F2] =	sst s15  }
0x1d: {  	s17 =	simm.s32 $0x13A00;
	[smem:$0x7F3] =	sst s16  }
0x1e: {  	s28 =	simm.s32 $0x6200;
	s18 =	simm.s32 $0x14200;
	[smem:$0x7F4] =	sst s17  }
0x1f: {  	s29 =	simm.s32 $0x6A00;
	s19 =	simm.s32 $0x14A00;
	[smem:$0x7F5] =	sst s18  }
0x20: {  	s30 =	simm.s32 $0x7200;
	s20 =	simm.s32 $0x15200;
	[smem:$0x7F6] =	sst s19  }
0x21: {  	s31 =	simm.s32 $0x7A00;
	s21 =	simm.s32 $0x15A00;
	[smem:$0x7F7] =	sst s20  }
0x22: {  	s22 =	simm.s32 $0x16200;
	s23 =	simm.s32 $0x16A00;
	[smem:$0x7F8] =	sst s21  }
0x23: {  	s0 =	sadd.s32 $0x1000, s5;
	s24 =	sadd.s32 $0x2000, s5;
	[smem:$0x7F9] =	sst s22  }
0x24: {  	s6 =	sadd.s32 $0x800, s26;
	s9 =	sadd.s32 $0x3000, s5;
	[smem:$0x7FA] =	sst s23  }
0x25: {  	s11 =	sadd.s32 $0x1000, s26;
	s25 =	simm.s32 $0xCA00;
	[dreg:$0x6] =	wrdreg s0  }
0x26: {  	s26 =	simm.s32 $0xD200;
	s5 =	simm.s32 $0xE200;
	[dreg:$0x7] =	wrdreg s24  }
0x27: {  	s13 =	simm.s32 $0x1;
	s14 =	simm.s32 $0x80;
	[dreg:$0x9] =	wrdreg s6  }
0x28: {  	s15 =	simm.s32 $0x4;
	s16 =	simm.s32 $0x2;
	[dreg:$0xa] =	wrdreg s9  }
0x29: {  	s17 =	simm.s32 $0x1200;
	s18 =	simm.s32 $0x1A00;
	[dreg:$0xc] =	wrdreg s11  }
0x2a: {  	s19 =	simm.s32 $0x2200;
	s20 =	simm.s32 $0x2A00;
	[dreg:$0x1a] =	wrdreg s25  }
0x2b: {  	s21 =	simm.s32 $0x3200;
	s22 =	simm.s32 $0x3A00;
	[dreg:$0x1b] =	wrdreg s26  }
0x2c: {  	s23 =	simm.s32 $0x4200;
	s24 =	simm.s32 $0xC200;
	[dreg:$0x1d] =	wrdreg s5  }
0x2d: {  	s6 =	ssub.s32 $0x2, s7;
	s7 =	simm.s32 $0xEA00;
	[dreg:$0x19] =	wrdreg s24  }
0x2e: {  	s10 =	simm.s32 $0x8A00;
	s9 =	simm.s32 $0xF200;
	[dreg:$0x1e] =	wrdreg s7  }
0x2f: {  	s12 =	simm.s32 $0x200;
	s11 =	simm.s32 $0x10200;
	[dreg:$0x1f] =	wrdreg s9  }
0x30: {  	s25 =	simm.s32 $0x17A00;
	s26 =	simm.s32 $0x18200;
	[smem:$0x7EE] =	sst s11  }
0x31: {  	s0 =	simm.s32 $0x3;
	s8 =	sshrl.u32 s6, $0x1;
	[smem:$0x7FC] =	sst s25  }
0x32: {  	s24 =	simm.s32 $0x17200;
	[smem:$0x7FD] =	sst s26;
	s25 =	simm.s32 $0x5200  }
0x33: {  	v2 =	vlaneseq.u32;
	s26 =	simm.s32 $0x5A00;
	s11 =	simm.s32 $0x10A00;
	s1 =	ssub.s32 s6, s8  }
0x34: {  	vm0 =	vmmov $0xffff;
	v1 =	vshrl.u32 v2, $0x3;
	s8 =	simm.s32 $0xA00;
	[smem:$0x7FB] =	sst s24;
	s24 =	simm.s32 $0x4A00  }
0x35: {  	v0 =	vand.u32 $0x7, v2;
	v2 =	vor.u32 $0x8, v2;
	v1 =	vmul.u32 $0x8, v1;
	s6 =	simm.s32 $0x600;
	s7 =	smax.u32 s1, $0x1;
	s1 =	simm.s32 $0x8200  }
.LBB2_1:
0x36: {  	s9 =	sld [smem:$0x7EB];
	_ =	sdelay $0x1  }
0x37: {  	s5 =	rddreg [dreg:$0x6]  }
0x38: {  	[tilespmem:s8], [sflag:$0x2] =	stream.linear.gather [hbm4b:s9+s4], $0x8000, $0x38;
	[tilespmem:$0x18A00] =	vst v63  }
0x39: {  	s9 =	rddreg [dreg:$0x7]  }
0x3a: {  	[tilespmem:s10], [sflag:$0x2] =	stream.linear.gather [hbm4b:s5+s4], $0x8000, $0x38;
	[tilespmem:$0x18A00] =	vst v63  }
0x3b: {  	s5 =	rddreg [dreg:$0x8]  }
0x3c: {  	[tilespmem:s11], [sflag:$0x2] =	stream.linear.gather [hbm4b:s9+s4], $0x8000, $0x38;
	[tilespmem:$0x18A00] =	vst v63  }
0x3d: {  	s9 =	sld [smem:$0x7EC]  }
0x3e: {  	[tilespmem:s4], [sflag:$0x1] =	stream.linear.gather [hbm4b:s5+s4], $0x200, $0x38;
	[tilespmem:$0x18A00] =	vst v63  }
0x3f: {  	_ = 	snop  }
0x40: {  	[tilespmem:s12], [sflag:$0x1] =	stream.linear.gather [hbm4b:s9+s4], $0x200, $0x38;
	[tilespmem:$0x18A00] =	vst v63  }
0x41: {  	s5 =	rddreg [dreg:$0x9];
	s9 =	simm.s32 $0x400  }
0x42: {  	[tilespmem:s9], [sflag:$0x1] =	stream.linear.gather [hbm4b:s5+s4], $0x200, $0x38;
	[tilespmem:$0x18A00] =	vst v63  }
0x43: {  	_ =	swait.ge [sflag:s13], $0x200  }
0x44: {  	[sflag:s13] =	ssyncset.done $0x0  }
0x45: {  	[sflag:s13] =	ssyncadd.s32 $0xFFFFFE00  }
0x46: {  	_ =	swait.ge [sflag:s13], $0x200  }
0x47: {  	[sflag:s13] =	ssyncset.done $0x0  }
0x48: {  	[sflag:s13] =	ssyncadd.s32 $0xFFFFFE00  }
0x49: {  	_ =	swait.ge [sflag:s13], $0x200  }
0x4a: {  	[sflag:s13] =	ssyncset.done $0x0  }
0x4b: {  	[sflag:s13] =	ssyncadd.s32 $0xFFFFFE00  }
0x4c: {  	[spmem:s3] =	stream.indirect.scatter [tilespmem:s9], [sflag:$0x4], $0x1, s12, s14, $0xb8;
	[tilespmem:$0x18A00] =	vst v63  }
0x4d: {  	_ =	swait.ge [sflag:s15], $0x80  }
0x4e: {  	s5 =	rddreg [dreg:$0xd];
	[sflag:s15] =	ssyncset.done $0x0  }
0x4f: {  	s9 =	rddreg [dreg:$0xe];
	[sflag:s15] =	ssyncadd.s32 $0xFFFFFF80  }
0x50: {  	[spmem:s3] =	stream.indirect.scatter [tilespmem:s9], [sflag:$0x4], $0x1, s5, s14, $0xb8;
	[tilespmem:$0x18A00] =	vst v63  }
0x51: {  	_ =	swait.ge [sflag:s15], $0x80  }
0x52: {  	s5 =	rddreg [dreg:$0xf];
	[sflag:s15] =	ssyncset.done $0x0  }
0x53: {  	s9 =	rddreg [dreg:$0x10];
	[sflag:s15] =	ssyncadd.s32 $0xFFFFFF80  }
0x54: {  	[spmem:s3] =	stream.indirect.scatter [tilespmem:s9], [sflag:$0x4], $0x1, s5, s14, $0xb8;
	[tilespmem:$0x18A00] =	vst v63  }
0x55: {  	_ =	swait.ge [sflag:s15], $0x80  }
0x56: {  	s5 =	rddreg [dreg:$0x11];
	[sflag:s15] =	ssyncset.done $0x0  }
0x57: {  	s9 =	rddreg [dreg:$0x12];
	[sflag:s15] =	ssyncadd.s32 $0xFFFFFF80  }
0x58: {  	[spmem:s3] =	stream.indirect.scatter [tilespmem:s9], [sflag:$0x4], $0x1, s5, s14, $0xb8;
	[tilespmem:$0x18A00] =	vst v63  }
0x59: {  	_ =	swait.ge [sflag:s15], $0x80  }
0x5a: {  	[sflag:s15] =	ssyncset.done $0x0  }
0x5b: {  	[sflag:s15] =	ssyncadd.s32 $0xFFFFFF80  }
0x5c: {  	_ =	swait.ge [sflag:s16], $0x8000  }
0x5d: {  	[sflag:s16] =	ssyncset.done $0x0  }
0x5e: {  	[sflag:s16] =	ssyncadd.s32 $0xFFFF8000  }
0x5f: {  	v3 =	vld [tilespmem:$0x0];
	_ =	sdelay $0x4  }
0x60: {  	v4 =	vshll.u32 v3, $0x1  }
0x61: {  	v3 =	vand.u32 $0x7, v3;
	v4 =	vand.u32 $0xFFFFFFF0, v4  }
0x62: {  	v3 =	vor.u32 v3, v4  }
0x63: {  	v4 =	vperm.xlane v3, v0;
	_ =	sdelay $0x1  }
0x64: {  	v3 =	vperm.xlane v3, v2;
	v4 =	vadd.s32 v1, v4;
	_ =	sdelay $0x1  }
0x65: {  	v3 =	vadd.s32 v1, v3;
	_ =	sdelay $0x2  }
0x66: {  	[hbm4b:s2+s4] =	stream.indirect_vreg.scatter [tilespmem:s8], [sflag:$0x3], $0x80, v4, vm0, $0xb8;
	[tilespmem:$0x18A00] =	vst v63  }
0x67: {  	_ = 	snop  }
0x68: {  	[hbm4b:s2+s4] =	stream.indirect_vreg.scatter [tilespmem:s17], [sflag:$0x3], $0x80, v3, vm0, $0xb8;
	[tilespmem:$0x18A00] =	vst v63  }
0x69: {  	v3 =	vld [tilespmem:$0x10];
	_ =	sdelay $0x4  }
0x6a: {  	v33 =	vshll.u32 v3, $0x1  }
0x6b: {  	v3 =	vand.u32 $0x7, v3;
	v4 =	vand.u32 $0xFFFFFFF0, v33  }
0x6c: {  	v3 =	vor.u32 v3, v4  }
0x6d: {  	v4 =	vperm.xlane v3, v0;
	_ =	sdelay $0x1  }
0x6e: {  	v3 =	vperm.xlane v3, v2;
	v4 =	vadd.s32 v1, v4;
	_ =	sdelay $0x1  }
0x6f: {  	v3 =	vadd.s32 v1, v3;
	_ =	sdelay $0x2  }
0x70: {  	[hbm4b:s2+s4] =	stream.indirect_vreg.scatter [tilespmem:s18], [sflag:$0x3], $0x80, v4, vm0, $0xb8;
	[tilespmem:$0x18A00] =	vst v63  }
0x71: {  	_ = 	snop  }
0x72: {  	[hbm4b:s2+s4] =	stream.indirect_vreg.scatter [tilespmem:s19], [sflag:$0x3], $0x80, v3, vm0, $0xb8;
	[tilespmem:$0x18A00] =	vst v63  }
0x73: {  	v3 =	vld [tilespmem:$0x20];
	_ =	sdelay $0x4  }
0x74: {  	v34 =	vshll.u32 v3, $0x1  }
0x75: {  	v3 =	vand.u32 $0x7, v3;
	v4 =	vand.u32 $0xFFFFFFF0, v34  }
0x76: {  	v3 =	vor.u32 v3, v4  }
0x77: {  	v4 =	vperm.xlane v3, v0;
	_ =	sdelay $0x1  }
0x78: {  	v3 =	vperm.xlane v3, v2;
	v4 =	vadd.s32 v1, v4;
	_ =	sdelay $0x1  }
0x79: {  	v3 =	vadd.s32 v1, v3;
	_ =	sdelay $0x2  }
0x7a: {  	[hbm4b:s2+s4] =	stream.indirect_vreg.scatter [tilespmem:s20], [sflag:$0x3], $0x80, v4, vm0, $0xb8;
	[tilespmem:$0x18A00] =	vst v63  }
0x7b: {  	_ = 	snop  }
0x7c: {  	[hbm4b:s2+s4] =	stream.indirect_vreg.scatter [tilespmem:s21], [sflag:$0x3], $0x80, v3, vm0, $0xb8;
	[tilespmem:$0x18A00] =	vst v63  }
0x7d: {  	v3 =	vld [tilespmem:$0x30];
	_ =	sdelay $0x4  }
0x7e: {  	v35 =	vshll.u32 v3, $0x1  }
0x7f: {  	v3 =	vand.u32 $0x7, v3;
	v4 =	vand.u32 $0xFFFFFFF0, v35  }
0x80: {  	v3 =	vor.u32 v3, v4  }
0x81: {  	v4 =	vperm.xlane v3, v0;
	_ =	sdelay $0x1  }
0x82: {  	v3 =	vperm.xlane v3, v2;
	v4 =	vadd.s32 v1, v4;
	_ =	sdelay $0x1  }
0x83: {  	v3 =	vadd.s32 v1, v3;
	_ =	sdelay $0x2  }
0x84: {  	[hbm4b:s2+s4] =	stream.indirect_vreg.scatter [tilespmem:s22], [sflag:$0x3], $0x80, v4, vm0, $0xb8;
	[tilespmem:$0x18A00] =	vst v63  }
0x85: {  	_ = 	snop  }
0x86: {  	[hbm4b:s2+s4] =	stream.indirect_vreg.scatter [tilespmem:s23], [sflag:$0x3], $0x80, v3, vm0, $0xb8;
	[tilespmem:$0x18A00] =	vst v63  }
0x87: {  	v3 =	vld [tilespmem:$0x40];
	_ =	sdelay $0x4  }
0x88: {  	v36 =	vshll.u32 v3, $0x1  }
0x89: {  	v3 =	vand.u32 $0x7, v3;
	v4 =	vand.u32 $0xFFFFFFF0, v36  }
0x8a: {  	v3 =	vor.u32 v3, v4  }
0x8b: {  	v4 =	vperm.xlane v3, v0;
	_ =	sdelay $0x1  }
0x8c: {  	v3 =	vperm.xlane v3, v2;
	v4 =	vadd.s32 v1, v4;
	_ =	sdelay $0x1  }
0x8d: {  	v3 =	vadd.s32 v1, v3;
	_ =	sdelay $0x2  }
0x8e: {  	[hbm4b:s2+s4] =	stream.indirect_vreg.scatter [tilespmem:s24], [sflag:$0x3], $0x80, v4, vm0, $0xb8;
	[tilespmem:$0x18A00] =	vst v63  }
0x8f: {  	_ = 	snop  }
0x90: {  	[hbm4b:s2+s4] =	stream.indirect_vreg.scatter [tilespmem:s25], [sflag:$0x3], $0x80, v3, vm0, $0xb8;
	[tilespmem:$0x18A00] =	vst v63  }
0x91: {  	v3 =	vld [tilespmem:$0x50];
	_ =	sdelay $0x4  }
0x92: {  	v37 =	vshll.u32 v3, $0x1  }
0x93: {  	v3 =	vand.u32 $0x7, v3;
	v4 =	vand.u32 $0xFFFFFFF0, v37  }
0x94: {  	v3 =	vor.u32 v3, v4  }
0x95: {  	v4 =	vperm.xlane v3, v0;
	_ =	sdelay $0x1  }
0x96: {  	v3 =	vperm.xlane v3, v2;
	v4 =	vadd.s32 v1, v4;
	_ =	sdelay $0x1  }
0x97: {  	v3 =	vadd.s32 v1, v3;
	_ =	sdelay $0x2  }
0x98: {  	[hbm4b:s2+s4] =	stream.indirect_vreg.scatter [tilespmem:s26], [sflag:$0x3], $0x80, v4, vm0, $0xb8;
	[tilespmem:$0x18A00] =	vst v63  }
0x99: {  	_ = 	snop  }
0x9a: {  	[hbm4b:s2+s4] =	stream.indirect_vreg.scatter [tilespmem:s28], [sflag:$0x3], $0x80, v3, vm0, $0xb8;
	[tilespmem:$0x18A00] =	vst v63  }
0x9b: {  	v3 =	vld [tilespmem:$0x60];
	_ =	sdelay $0x4  }
0x9c: {  	v38 =	vshll.u32 v3, $0x1  }
0x9d: {  	v3 =	vand.u32 $0x7, v3;
	v4 =	vand.u32 $0xFFFFFFF0, v38  }
0x9e: {  	v3 =	vor.u32 v3, v4  }
0x9f: {  	v4 =	vperm.xlane v3, v0;
	_ =	sdelay $0x1  }
0xa0: {  	v3 =	vperm.xlane v3, v2;
	v4 =	vadd.s32 v1, v4;
	_ =	sdelay $0x1  }
0xa1: {  	v3 =	vadd.s32 v1, v3;
	_ =	sdelay $0x2  }
0xa2: {  	[hbm4b:s2+s4] =	stream.indirect_vreg.scatter [tilespmem:s29], [sflag:$0x3], $0x80, v4, vm0, $0xb8;
	[tilespmem:$0x18A00] =	vst v63  }
0xa3: {  	_ = 	snop  }
0xa4: {  	[hbm4b:s2+s4] =	stream.indirect_vreg.scatter [tilespmem:s30], [sflag:$0x3], $0x80, v3, vm0, $0xb8;
	[tilespmem:$0x18A00] =	vst v63  }
0xa5: {  	v3 =	vld [tilespmem:$0x70];
	_ =	sdelay $0x4  }
0xa6: {  	v39 =	vshll.u32 v3, $0x1  }
0xa7: {  	v3 =	vand.u32 $0x7, v3;
	v4 =	vand.u32 $0xFFFFFFF0, v39  }
0xa8: {  	v3 =	vor.u32 v3, v4  }
0xa9: {  	v4 =	vperm.xlane v3, v0;
	_ =	sdelay $0x1  }
0xaa: {  	v3 =	vperm.xlane v3, v2;
	v4 =	vadd.s32 v1, v4;
	_ =	sdelay $0x1  }
0xab: {  	v3 =	vadd.s32 v1, v3;
	_ =	sdelay $0x2  }
0xac: {  	[hbm4b:s2+s4] =	stream.indirect_vreg.scatter [tilespmem:s31], [sflag:$0x3], $0x80, v4, vm0, $0xb8;
	[tilespmem:$0x18A00] =	vst v63  }
0xad: {  	_ = 	snop  }
0xae: {  	[hbm4b:s2+s4] =	stream.indirect_vreg.scatter [tilespmem:s1], [sflag:$0x3], $0x80, v3, vm0, $0xb8;
	[tilespmem:$0x18A00] =	vst v63  }
0xaf: {  	_ =	swait.ge [sflag:s0], $0x8000  }
0xb0: {  	[sflag:s0] =	ssyncset.done $0x0  }
0xb1: {  	s9 =	rddreg [dreg:$0xa];
	[sflag:s0] =	ssyncadd.s32 $0xFFFF8000  }
0xb2: {  	[tilespmem:s8], [sflag:$0x2] =	stream.linear.gather [hbm4b:s9+s4], $0x8000, $0x38;
	[tilespmem:$0x18A00] =	vst v63  }
0xb3: {  	_ =	swait.ge [sflag:s16], $0x8000  }
0xb4: {  	[sflag:s16] =	ssyncset.done $0x0  }
0xb5: {  	[sflag:s16] =	ssyncadd.s32 $0xFFFF8000  }
0xb6: {  	v3 =	vld [tilespmem:$0x80];
	_ =	sdelay $0x4  }
0xb7: {  	v40 =	vshll.u32 v3, $0x1  }
0xb8: {  	v3 =	vand.u32 $0x7, v3;
	v4 =	vand.u32 $0xFFFFFFF0, v40  }
0xb9: {  	v3 =	vor.u32 v3, v4  }
0xba: {  	v4 =	vperm.xlane v3, v0;
	_ =	sdelay $0x1  }
0xbb: {  	v3 =	vperm.xlane v3, v2;
	v4 =	vadd.s32 v1, v4;
	_ =	sdelay $0x1  }
0xbc: {  	v3 =	vadd.s32 v1, v3;
	_ =	sdelay $0x2  }
0xbd: {  	[hbm4b:s2+s4] =	stream.indirect_vreg.scatter [tilespmem:s10], [sflag:$0x3], $0x80, v4, vm0, $0xb8;
	[tilespmem:$0x18A00] =	vst v63  }
0xbe: {  	s9 =	rddreg [dreg:$0x13]  }
0xbf: {  	[hbm4b:s2+s4] =	stream.indirect_vreg.scatter [tilespmem:s9], [sflag:$0x3], $0x80, v3, vm0, $0xb8;
	[tilespmem:$0x18A00] =	vst v63  }
0xc0: {  	v3 =	vld [tilespmem:$0x90];
	_ =	sdelay $0x4  }
0xc1: {  	v41 =	vshll.u32 v3, $0x1  }
0xc2: {  	v3 =	vand.u32 $0x7, v3;
	v4 =	vand.u32 $0xFFFFFFF0, v41  }
0xc3: {  	v3 =	vor.u32 v3, v4  }
0xc4: {  	v4 =	vperm.xlane v3, v0;
	_ =	sdelay $0x1  }
0xc5: {  	v3 =	vperm.xlane v3, v2;
	v4 =	vadd.s32 v1, v4;
	_ =	sdelay $0x1  }
0xc6: {  	v3 =	vadd.s32 v1, v3;
	_ =	sdelay $0x1  }
0xc7: {  	s5 =	rddreg [dreg:$0x14]  }
0xc8: {  	[hbm4b:s2+s4] =	stream.indirect_vreg.scatter [tilespmem:s5], [sflag:$0x3], $0x80, v4, vm0, $0xb8;
	[tilespmem:$0x18A00] =	vst v63  }
0xc9: {  	s9 =	rddreg [dreg:$0x15]  }
0xca: {  	[hbm4b:s2+s4] =	stream.indirect_vreg.scatter [tilespmem:s9], [sflag:$0x3], $0x80, v3, vm0, $0xb8;
	[tilespmem:$0x18A00] =	vst v63  }
0xcb: {  	v3 =	vld [tilespmem:$0xA0];
	_ =	sdelay $0x4  }
0xcc: {  	v42 =	vshll.u32 v3, $0x1  }
0xcd: {  	v3 =	vand.u32 $0x7, v3;
	v4 =	vand.u32 $0xFFFFFFF0, v42  }
0xce: {  	v3 =	vor.u32 v3, v4  }
0xcf: {  	v4 =	vperm.xlane v3, v0;
	_ =	sdelay $0x1  }
0xd0: {  	v3 =	vperm.xlane v3, v2;
	v4 =	vadd.s32 v1, v4;
	_ =	sdelay $0x1  }
0xd1: {  	v3 =	vadd.s32 v1, v3;
	_ =	sdelay $0x1  }
0xd2: {  	s5 =	rddreg [dreg:$0x16]  }
0xd3: {  	[hbm4b:s2+s4] =	stream.indirect_vreg.scatter [tilespmem:s5], [sflag:$0x3], $0x80, v4, vm0, $0xb8;
	[tilespmem:$0x18A00] =	vst v63  }
0xd4: {  	s9 =	rddreg [dreg:$0x17]  }
0xd5: {  	[hbm4b:s2+s4] =	stream.indirect_vreg.scatter [tilespmem:s9], [sflag:$0x3], $0x80, v3, vm0, $0xb8;
	[tilespmem:$0x18A00] =	vst v63  }
0xd6: {  	v3 =	vld [tilespmem:$0xB0];
	_ =	sdelay $0x4  }
0xd7: {  	v43 =	vshll.u32 v3, $0x1  }
0xd8: {  	v3 =	vand.u32 $0x7, v3;
	v4 =	vand.u32 $0xFFFFFFF0, v43  }
0xd9: {  	v3 =	vor.u32 v3, v4  }
0xda: {  	v4 =	vperm.xlane v3, v0;
	_ =	sdelay $0x1  }
0xdb: {  	v3 =	vperm.xlane v3, v2;
	v4 =	vadd.s32 v1, v4;
	_ =	sdelay $0x1  }
0xdc: {  	v3 =	vadd.s32 v1, v3;
	_ =	sdelay $0x1  }
0xdd: {  	s5 =	rddreg [dreg:$0x18]  }
0xde: {  	[hbm4b:s2+s4] =	stream.indirect_vreg.scatter [tilespmem:s5], [sflag:$0x3], $0x80, v4, vm0, $0xb8;
	[tilespmem:$0x18A00] =	vst v63  }
0xdf: {  	s9 =	rddreg [dreg:$0x19]  }
0xe0: {  	[hbm4b:s2+s4] =	stream.indirect_vreg.scatter [tilespmem:s9], [sflag:$0x3], $0x80, v3, vm0, $0xb8;
	[tilespmem:$0x18A00] =	vst v63  }
0xe1: {  	v3 =	vld [tilespmem:$0xC0];
	_ =	sdelay $0x4  }
0xe2: {  	v44 =	vshll.u32 v3, $0x1  }
0xe3: {  	v3 =	vand.u32 $0x7, v3;
	v4 =	vand.u32 $0xFFFFFFF0, v44  }
0xe4: {  	v3 =	vor.u32 v3, v4  }
0xe5: {  	v4 =	vperm.xlane v3, v0;
	_ =	sdelay $0x1  }
0xe6: {  	v3 =	vperm.xlane v3, v2;
	v4 =	vadd.s32 v1, v4;
	_ =	sdelay $0x1  }
0xe7: {  	v3 =	vadd.s32 v1, v3;
	_ =	sdelay $0x1  }
0xe8: {  	s5 =	rddreg [dreg:$0x1a]  }
0xe9: {  	[hbm4b:s2+s4] =	stream.indirect_vreg.scatter [tilespmem:s5], [sflag:$0x3], $0x80, v4, vm0, $0xb8;
	[tilespmem:$0x18A00] =	vst v63  }
0xea: {  	s9 =	rddreg [dreg:$0x1b]  }
0xeb: {  	[hbm4b:s2+s4] =	stream.indirect_vreg.scatter [tilespmem:s9], [sflag:$0x3], $0x80, v3, vm0, $0xb8;
	[tilespmem:$0x18A00] =	vst v63  }
0xec: {  	v3 =	vld [tilespmem:$0xD0];
	_ =	sdelay $0x4  }
0xed: {  	v45 =	vshll.u32 v3, $0x1  }
0xee: {  	v3 =	vand.u32 $0x7, v3;
	v4 =	vand.u32 $0xFFFFFFF0, v45  }
0xef: {  	v3 =	vor.u32 v3, v4  }
0xf0: {  	v4 =	vperm.xlane v3, v0;
	_ =	sdelay $0x1  }
0xf1: {  	v3 =	vperm.xlane v3, v2;
	v4 =	vadd.s32 v1, v4;
	_ =	sdelay $0x1  }
0xf2: {  	v3 =	vadd.s32 v1, v3;
	_ =	sdelay $0x1  }
0xf3: {  	s5 =	rddreg [dreg:$0x1c]  }
0xf4: {  	[hbm4b:s2+s4] =	stream.indirect_vreg.scatter [tilespmem:s5], [sflag:$0x3], $0x80, v4, vm0, $0xb8;
	[tilespmem:$0x18A00] =	vst v63  }
0xf5: {  	s9 =	rddreg [dreg:$0x1d]  }
0xf6: {  	[hbm4b:s2+s4] =	stream.indirect_vreg.scatter [tilespmem:s9], [sflag:$0x3], $0x80, v3, vm0, $0xb8;
	[tilespmem:$0x18A00] =	vst v63  }
0xf7: {  	v3 =	vld [tilespmem:$0xE0];
	_ =	sdelay $0x4  }
0xf8: {  	v46 =	vshll.u32 v3, $0x1  }
0xf9: {  	v3 =	vand.u32 $0x7, v3;
	v4 =	vand.u32 $0xFFFFFFF0, v46  }
0xfa: {  	v3 =	vor.u32 v3, v4  }
0xfb: {  	v4 =	vperm.xlane v3, v0;
	_ =	sdelay $0x1  }
0xfc: {  	v3 =	vperm.xlane v3, v2;
	v4 =	vadd.s32 v1, v4;
	_ =	sdelay $0x1  }
0xfd: {  	v3 =	vadd.s32 v1, v3;
	_ =	sdelay $0x1  }
0xfe: {  	s5 =	rddreg [dreg:$0x1e]  }
0xff: {  	[hbm4b:s2+s4] =	stream.indirect_vreg.scatter [tilespmem:s5], [sflag:$0x3], $0x80, v4, vm0, $0xb8;
	[tilespmem:$0x18A00] =	vst v63  }
0x100: {  	s9 =	rddreg [dreg:$0x1f]  }
0x101: {  	[hbm4b:s2+s4] =	stream.indirect_vreg.scatter [tilespmem:s9], [sflag:$0x3], $0x80, v3, vm0, $0xb8;
	[tilespmem:$0x18A00] =	vst v63  }
0x102: {  	v3 =	vld [tilespmem:$0xF0];
	_ =	sdelay $0x4  }
0x103: {  	v47 =	vshll.u32 v3, $0x1  }
0x104: {  	v3 =	vand.u32 $0x7, v3;
	v4 =	vand.u32 $0xFFFFFFF0, v47  }
0x105: {  	v3 =	vor.u32 v3, v4  }
0x106: {  	v4 =	vperm.xlane v3, v0;
	_ =	sdelay $0x1  }
0x107: {  	v3 =	vperm.xlane v3, v2;
	v4 =	vadd.s32 v1, v4;
	_ =	sdelay $0x1  }
0x108: {  	s5 =	sld [smem:$0x7ED];
	v3 =	vadd.s32 v1, v3;
	_ =	sdelay $0x1  }
0x109: {  	s9 =	sld [smem:$0x7EE]  }
0x10a: {  	[hbm4b:s2+s4] =	stream.indirect_vreg.scatter [tilespmem:s5], [sflag:$0x3], $0x80, v4, vm0, $0xb8;
	[tilespmem:$0x18A00] =	vst v63  }
0x10b: {  	_ = 	snop  }
0x10c: {  	[hbm4b:s2+s4] =	stream.indirect_vreg.scatter [tilespmem:s9], [sflag:$0x3], $0x80, v3, vm0, $0xb8;
	[tilespmem:$0x18A00] =	vst v63  }
0x10d: {  	_ =	swait.ge [sflag:s16], $0x8000  }
0x10e: {  	[sflag:s16] =	ssyncset.done $0x0  }
0x10f: {  	[sflag:s16] =	ssyncadd.s32 $0xFFFF8000  }
0x110: {  	v3 =	vld [tilespmem:$0x100];
	_ =	sdelay $0x4  }
0x111: {  	v48 =	vshll.u32 v3, $0x1  }
0x112: {  	v3 =	vand.u32 $0x7, v3;
	v4 =	vand.u32 $0xFFFFFFF0, v48  }
0x113: {  	v3 =	vor.u32 v3, v4  }
0x114: {  	v4 =	vperm.xlane v3, v0;
	_ =	sdelay $0x1  }
0x115: {  	v3 =	vperm.xlane v3, v2;
	v4 =	vadd.s32 v1, v4;
	_ =	sdelay $0x1  }
0x116: {  	v3 =	vadd.s32 v1, v3;
	_ =	sdelay $0x1  }
0x117: {  	s9 =	sld [smem:$0x7EF]  }
0x118: {  	[hbm4b:s2+s4] =	stream.indirect_vreg.scatter [tilespmem:s11], [sflag:$0x3], $0x80, v4, vm0, $0xb8;
	[tilespmem:$0x18A00] =	vst v63  }
0x119: {  	_ = 	snop  }
0x11a: {  	[hbm4b:s2+s4] =	stream.indirect_vreg.scatter [tilespmem:s9], [sflag:$0x3], $0x80, v3, vm0, $0xb8;
	[tilespmem:$0x18A00] =	vst v63  }
0x11b: {  	v3 =	vld [tilespmem:$0x110];
	_ =	sdelay $0x4  }
0x11c: {  	v49 =	vshll.u32 v3, $0x1  }
0x11d: {  	v3 =	vand.u32 $0x7, v3;
	v4 =	vand.u32 $0xFFFFFFF0, v49  }
0x11e: {  	v3 =	vor.u32 v3, v4  }
0x11f: {  	v4 =	vperm.xlane v3, v0;
	_ =	sdelay $0x1  }
0x120: {  	v3 =	vperm.xlane v3, v2;
	v4 =	vadd.s32 v1, v4;
	_ =	sdelay $0x1  }
0x121: {  	s5 =	sld [smem:$0x7F0];
	v3 =	vadd.s32 v1, v3;
	_ =	sdelay $0x1  }
0x122: {  	s9 =	sld [smem:$0x7F1]  }
0x123: {  	[hbm4b:s2+s4] =	stream.indirect_vreg.scatter [tilespmem:s5], [sflag:$0x3], $0x80, v4, vm0, $0xb8;
	[tilespmem:$0x18A00] =	vst v63  }
0x124: {  	_ = 	snop  }
0x125: {  	[hbm4b:s2+s4] =	stream.indirect_vreg.scatter [tilespmem:s9], [sflag:$0x3], $0x80, v3, vm0, $0xb8;
	[tilespmem:$0x18A00] =	vst v63  }
0x126: {  	v3 =	vld [tilespmem:$0x120];
	_ =	sdelay $0x4  }
0x127: {  	v50 =	vshll.u32 v3, $0x1  }
0x128: {  	v3 =	vand.u32 $0x7, v3;
	v4 =	vand.u32 $0xFFFFFFF0, v50  }
0x129: {  	v3 =	vor.u32 v3, v4  }
0x12a: {  	v4 =	vperm.xlane v3, v0;
	_ =	sdelay $0x1  }
0x12b: {  	v3 =	vperm.xlane v3, v2;
	v4 =	vadd.s32 v1, v4;
	_ =	sdelay $0x1  }
0x12c: {  	s5 =	sld [smem:$0x7F2];
	v3 =	vadd.s32 v1, v3;
	_ =	sdelay $0x1  }
0x12d: {  	s9 =	sld [smem:$0x7F3]  }
0x12e: {  	[hbm4b:s2+s4] =	stream.indirect_vreg.scatter [tilespmem:s5], [sflag:$0x3], $0x80, v4, vm0, $0xb8;
	[tilespmem:$0x18A00] =	vst v63  }
0x12f: {  	_ = 	snop  }
0x130: {  	[hbm4b:s2+s4] =	stream.indirect_vreg.scatter [tilespmem:s9], [sflag:$0x3], $0x80, v3, vm0, $0xb8;
	[tilespmem:$0x18A00] =	vst v63  }
0x131: {  	v3 =	vld [tilespmem:$0x130];
	_ =	sdelay $0x4  }
0x132: {  	v51 =	vshll.u32 v3, $0x1  }
0x133: {  	v3 =	vand.u32 $0x7, v3;
	v4 =	vand.u32 $0xFFFFFFF0, v51  }
0x134: {  	v3 =	vor.u32 v3, v4  }
0x135: {  	v4 =	vperm.xlane v3, v0;
	_ =	sdelay $0x1  }
0x136: {  	v3 =	vperm.xlane v3, v2;
	v4 =	vadd.s32 v1, v4;
	_ =	sdelay $0x1  }
0x137: {  	s5 =	sld [smem:$0x7F4];
	v3 =	vadd.s32 v1, v3;
	_ =	sdelay $0x1  }
0x138: {  	s9 =	sld [smem:$0x7F5]  }
0x139: {  	[hbm4b:s2+s4] =	stream.indirect_vreg.scatter [tilespmem:s5], [sflag:$0x3], $0x80, v4, vm0, $0xb8;
	[tilespmem:$0x18A00] =	vst v63  }
0x13a: {  	_ = 	snop  }
0x13b: {  	[hbm4b:s2+s4] =	stream.indirect_vreg.scatter [tilespmem:s9], [sflag:$0x3], $0x80, v3, vm0, $0xb8;
	[tilespmem:$0x18A00] =	vst v63  }
0x13c: {  	v3 =	vld [tilespmem:$0x140];
	_ =	sdelay $0x4  }
0x13d: {  	v52 =	vshll.u32 v3, $0x1  }
0x13e: {  	v3 =	vand.u32 $0x7, v3;
	v4 =	vand.u32 $0xFFFFFFF0, v52  }
0x13f: {  	v3 =	vor.u32 v3, v4  }
0x140: {  	v4 =	vperm.xlane v3, v0;
	_ =	sdelay $0x1  }
0x141: {  	v3 =	vperm.xlane v3, v2;
	v4 =	vadd.s32 v1, v4;
	_ =	sdelay $0x1  }
0x142: {  	s5 =	sld [smem:$0x7F6];
	v3 =	vadd.s32 v1, v3;
	_ =	sdelay $0x1  }
0x143: {  	s9 =	sld [smem:$0x7F7]  }
0x144: {  	[hbm4b:s2+s4] =	stream.indirect_vreg.scatter [tilespmem:s5], [sflag:$0x3], $0x80, v4, vm0, $0xb8;
	[tilespmem:$0x18A00] =	vst v63  }
0x145: {  	_ = 	snop  }
0x146: {  	[hbm4b:s2+s4] =	stream.indirect_vreg.scatter [tilespmem:s9], [sflag:$0x3], $0x80, v3, vm0, $0xb8;
	[tilespmem:$0x18A00] =	vst v63  }
0x147: {  	v3 =	vld [tilespmem:$0x150];
	_ =	sdelay $0x4  }
0x148: {  	v53 =	vshll.u32 v3, $0x1  }
0x149: {  	v3 =	vand.u32 $0x7, v3;
	v4 =	vand.u32 $0xFFFFFFF0, v53  }
0x14a: {  	v3 =	vor.u32 v3, v4  }
0x14b: {  	v4 =	vperm.xlane v3, v0;
	_ =	sdelay $0x1  }
0x14c: {  	v3 =	vperm.xlane v3, v2;
	v4 =	vadd.s32 v1, v4;
	_ =	sdelay $0x1  }
0x14d: {  	s5 =	sld [smem:$0x7F8];
	v3 =	vadd.s32 v1, v3;
	_ =	sdelay $0x1  }
0x14e: {  	s9 =	sld [smem:$0x7F9]  }
0x14f: {  	[hbm4b:s2+s4] =	stream.indirect_vreg.scatter [tilespmem:s5], [sflag:$0x3], $0x80, v4, vm0, $0xb8;
	[tilespmem:$0x18A00] =	vst v63  }
0x150: {  	_ = 	snop  }
0x151: {  	[hbm4b:s2+s4] =	stream.indirect_vreg.scatter [tilespmem:s9], [sflag:$0x3], $0x80, v3, vm0, $0xb8;
	[tilespmem:$0x18A00] =	vst v63  }
0x152: {  	v3 =	vld [tilespmem:$0x160];
	_ =	sdelay $0x4  }
0x153: {  	v54 =	vshll.u32 v3, $0x1  }
0x154: {  	v3 =	vand.u32 $0x7, v3;
	v4 =	vand.u32 $0xFFFFFFF0, v54  }
0x155: {  	v3 =	vor.u32 v3, v4  }
0x156: {  	v4 =	vperm.xlane v3, v0;
	_ =	sdelay $0x1  }
0x157: {  	v3 =	vperm.xlane v3, v2;
	v4 =	vadd.s32 v1, v4;
	_ =	sdelay $0x1  }
0x158: {  	s5 =	sld [smem:$0x7FA];
	v3 =	vadd.s32 v1, v3;
	_ =	sdelay $0x1  }
0x159: {  	s9 =	sld [smem:$0x7FB]  }
0x15a: {  	[hbm4b:s2+s4] =	stream.indirect_vreg.scatter [tilespmem:s5], [sflag:$0x3], $0x80, v4, vm0, $0xb8;
	[tilespmem:$0x18A00] =	vst v63  }
0x15b: {  	_ = 	snop  }
0x15c: {  	[hbm4b:s2+s4] =	stream.indirect_vreg.scatter [tilespmem:s9], [sflag:$0x3], $0x80, v3, vm0, $0xb8;
	[tilespmem:$0x18A00] =	vst v63  }
0x15d: {  	v3 =	vld [tilespmem:$0x170];
	_ =	sdelay $0x4  }
0x15e: {  	v55 =	vshll.u32 v3, $0x1  }
0x15f: {  	v3 =	vand.u32 $0x7, v3;
	v4 =	vand.u32 $0xFFFFFFF0, v55  }
0x160: {  	v3 =	vor.u32 v3, v4  }
0x161: {  	v4 =	vperm.xlane v3, v0;
	_ =	sdelay $0x1  }
0x162: {  	v3 =	vperm.xlane v3, v2;
	v4 =	vadd.s32 v1, v4;
	_ =	sdelay $0x1  }
0x163: {  	s5 =	sld [smem:$0x7FC];
	v3 =	vadd.s32 v1, v3;
	_ =	sdelay $0x1  }
0x164: {  	s9 =	sld [smem:$0x7FD]  }
0x165: {  	[hbm4b:s2+s4] =	stream.indirect_vreg.scatter [tilespmem:s5], [sflag:$0x3], $0x80, v4, vm0, $0xb8;
	[tilespmem:$0x18A00] =	vst v63  }
0x166: {  	_ = 	snop  }
0x167: {  	[hbm4b:s2+s4] =	stream.indirect_vreg.scatter [tilespmem:s9], [sflag:$0x3], $0x80, v3, vm0, $0xb8;
	[tilespmem:$0x18A00] =	vst v63  }
0x168: {  	_ =	swait.ge [sflag:s16], $0x8000  }
0x169: {  	[sflag:s16] =	ssyncset.done $0x0  }
0x16a: {  	[sflag:s16] =	ssyncadd.s32 $0xFFFF8000  }
0x16b: {  	v3 =	vld [tilespmem:$0x180];
	_ =	sdelay $0x4  }
0x16c: {  	v56 =	vshll.u32 v3, $0x1  }
0x16d: {  	v3 =	vand.u32 $0x7, v3;
	v4 =	vand.u32 $0xFFFFFFF0, v56  }
0x16e: {  	v3 =	vor.u32 v3, v4  }
0x16f: {  	v4 =	vperm.xlane v3, v0;
	_ =	sdelay $0x1  }
0x170: {  	v3 =	vperm.xlane v3, v2;
	v4 =	vadd.s32 v1, v4;
	_ =	sdelay $0x1  }
0x171: {  	v3 =	vadd.s32 v1, v3;
	_ =	sdelay $0x2  }
0x172: {  	[hbm4b:s2+s4] =	stream.indirect_vreg.scatter [tilespmem:s8], [sflag:$0x3], $0x80, v4, vm0, $0xb8;
	[tilespmem:$0x18A00] =	vst v63  }
0x173: {  	_ = 	snop  }
0x174: {  	[hbm4b:s2+s4] =	stream.indirect_vreg.scatter [tilespmem:s17], [sflag:$0x3], $0x80, v3, vm0, $0xb8;
	[tilespmem:$0x18A00] =	vst v63  }
0x175: {  	v3 =	vld [tilespmem:$0x190];
	_ =	sdelay $0x4  }
0x176: {  	v57 =	vshll.u32 v3, $0x1  }
0x177: {  	v3 =	vand.u32 $0x7, v3;
	v4 =	vand.u32 $0xFFFFFFF0, v57  }
0x178: {  	v3 =	vor.u32 v3, v4  }
0x179: {  	v4 =	vperm.xlane v3, v0;
	_ =	sdelay $0x1  }
0x17a: {  	v3 =	vperm.xlane v3, v2;
	v4 =	vadd.s32 v1, v4;
	_ =	sdelay $0x1  }
0x17b: {  	v3 =	vadd.s32 v1, v3;
	_ =	sdelay $0x2  }
0x17c: {  	[hbm4b:s2+s4] =	stream.indirect_vreg.scatter [tilespmem:s18], [sflag:$0x3], $0x80, v4, vm0, $0xb8;
	[tilespmem:$0x18A00] =	vst v63  }
0x17d: {  	_ = 	snop  }
0x17e: {  	[hbm4b:s2+s4] =	stream.indirect_vreg.scatter [tilespmem:s19], [sflag:$0x3], $0x80, v3, vm0, $0xb8;
	[tilespmem:$0x18A00] =	vst v63  }
0x17f: {  	v3 =	vld [tilespmem:$0x1A0];
	_ =	sdelay $0x4  }
0x180: {  	v58 =	vshll.u32 v3, $0x1  }
0x181: {  	v3 =	vand.u32 $0x7, v3;
	v4 =	vand.u32 $0xFFFFFFF0, v58  }
0x182: {  	v3 =	vor.u32 v3, v4  }
0x183: {  	v4 =	vperm.xlane v3, v0;
	_ =	sdelay $0x1  }
0x184: {  	v3 =	vperm.xlane v3, v2;
	v4 =	vadd.s32 v1, v4;
	_ =	sdelay $0x1  }
0x185: {  	v3 =	vadd.s32 v1, v3;
	_ =	sdelay $0x2  }
0x186: {  	[hbm4b:s2+s4] =	stream.indirect_vreg.scatter [tilespmem:s20], [sflag:$0x3], $0x80, v4, vm0, $0xb8;
	[tilespmem:$0x18A00] =	vst v63  }
0x187: {  	_ = 	snop  }
0x188: {  	[hbm4b:s2+s4] =	stream.indirect_vreg.scatter [tilespmem:s21], [sflag:$0x3], $0x80, v3, vm0, $0xb8;
	[tilespmem:$0x18A00] =	vst v63  }
0x189: {  	v3 =	vld [tilespmem:$0x1B0];
	_ =	sdelay $0x4  }
0x18a: {  	v59 =	vshll.u32 v3, $0x1  }
0x18b: {  	v3 =	vand.u32 $0x7, v3;
	v4 =	vand.u32 $0xFFFFFFF0, v59  }
0x18c: {  	v3 =	vor.u32 v3, v4  }
0x18d: {  	v4 =	vperm.xlane v3, v0;
	_ =	sdelay $0x1  }
0x18e: {  	v3 =	vperm.xlane v3, v2;
	v4 =	vadd.s32 v1, v4;
	_ =	sdelay $0x1  }
0x18f: {  	v3 =	vadd.s32 v1, v3;
	_ =	sdelay $0x2  }
0x190: {  	[hbm4b:s2+s4] =	stream.indirect_vreg.scatter [tilespmem:s22], [sflag:$0x3], $0x80, v4, vm0, $0xb8;
	[tilespmem:$0x18A00] =	vst v63  }
0x191: {  	_ = 	snop  }
0x192: {  	[hbm4b:s2+s4] =	stream.indirect_vreg.scatter [tilespmem:s23], [sflag:$0x3], $0x80, v3, vm0, $0xb8;
	[tilespmem:$0x18A00] =	vst v63  }
0x193: {  	v3 =	vld [tilespmem:$0x1C0];
	_ =	sdelay $0x4  }
0x194: {  	v60 =	vshll.u32 v3, $0x1  }
0x195: {  	v3 =	vand.u32 $0x7, v3;
	v4 =	vand.u32 $0xFFFFFFF0, v60  }
0x196: {  	v3 =	vor.u32 v3, v4  }
0x197: {  	v4 =	vperm.xlane v3, v0;
	_ =	sdelay $0x1  }
0x198: {  	v3 =	vperm.xlane v3, v2;
	v4 =	vadd.s32 v1, v4;
	_ =	sdelay $0x1  }
0x199: {  	v3 =	vadd.s32 v1, v3;
	_ =	sdelay $0x2  }
0x19a: {  	[hbm4b:s2+s4] =	stream.indirect_vreg.scatter [tilespmem:s24], [sflag:$0x3], $0x80, v4, vm0, $0xb8;
	[tilespmem:$0x18A00] =	vst v63  }
0x19b: {  	_ = 	snop  }
0x19c: {  	[hbm4b:s2+s4] =	stream.indirect_vreg.scatter [tilespmem:s25], [sflag:$0x3], $0x80, v3, vm0, $0xb8;
	[tilespmem:$0x18A00] =	vst v63  }
0x19d: {  	v3 =	vld [tilespmem:$0x1D0];
	_ =	sdelay $0x4  }
0x19e: {  	v61 =	vshll.u32 v3, $0x1  }
0x19f: {  	v3 =	vand.u32 $0x7, v3;
	v4 =	vand.u32 $0xFFFFFFF0, v61  }
0x1a0: {  	v3 =	vor.u32 v3, v4  }
0x1a1: {  	v4 =	vperm.xlane v3, v0;
	_ =	sdelay $0x1  }
0x1a2: {  	v3 =	vperm.xlane v3, v2;
	v4 =	vadd.s32 v1, v4;
	_ =	sdelay $0x1  }
0x1a3: {  	v3 =	vadd.s32 v1, v3;
	_ =	sdelay $0x2  }
0x1a4: {  	[hbm4b:s2+s4] =	stream.indirect_vreg.scatter [tilespmem:s26], [sflag:$0x3], $0x80, v4, vm0, $0xb8;
	[tilespmem:$0x18A00] =	vst v63  }
0x1a5: {  	_ = 	snop  }
0x1a6: {  	[hbm4b:s2+s4] =	stream.indirect_vreg.scatter [tilespmem:s28], [sflag:$0x3], $0x80, v3, vm0, $0xb8;
	[tilespmem:$0x18A00] =	vst v63  }
0x1a7: {  	v3 =	vld [tilespmem:$0x1E0];
	_ =	sdelay $0x4  }
0x1a8: {  	v62 =	vshll.u32 v3, $0x1  }
0x1a9: {  	v3 =	vand.u32 $0x7, v3;
	v4 =	vand.u32 $0xFFFFFFF0, v62  }
0x1aa: {  	v3 =	vor.u32 v3, v4  }
0x1ab: {  	v4 =	vperm.xlane v3, v0;
	_ =	sdelay $0x1  }
0x1ac: {  	v3 =	vperm.xlane v3, v2;
	v4 =	vadd.s32 v1, v4;
	_ =	sdelay $0x1  }
0x1ad: {  	v3 =	vadd.s32 v1, v3;
	_ =	sdelay $0x2  }
0x1ae: {  	[hbm4b:s2+s4] =	stream.indirect_vreg.scatter [tilespmem:s29], [sflag:$0x3], $0x80, v4, vm0, $0xb8;
	[tilespmem:$0x18A00] =	vst v63  }
0x1af: {  	_ = 	snop  }
0x1b0: {  	[hbm4b:s2+s4] =	stream.indirect_vreg.scatter [tilespmem:s30], [sflag:$0x3], $0x80, v3, vm0, $0xb8;
	[tilespmem:$0x18A00] =	vst v63  }
0x1b1: {  	v3 =	vld [tilespmem:$0x1F0];
	_ =	sdelay $0x4  }
0x1b2: {  	v63 =	vshll.u32 v3, $0x1  }
0x1b3: {  	v3 =	vand.u32 $0x7, v3;
	v4 =	vand.u32 $0xFFFFFFF0, v63  }
0x1b4: {  	v3 =	vor.u32 v3, v4  }
0x1b5: {  	v4 =	vperm.xlane v3, v0;
	_ =	sdelay $0x1  }
0x1b6: {  	v3 =	vperm.xlane v3, v2;
	v4 =	vadd.s32 v1, v4;
	_ =	sdelay $0x1  }
0x1b7: {  	v3 =	vadd.s32 v1, v3;
	_ =	sdelay $0x2  }
0x1b8: {  	[hbm4b:s2+s4] =	stream.indirect_vreg.scatter [tilespmem:s31], [sflag:$0x3], $0x80, v4, vm0, $0xb8;
	[tilespmem:$0x18A00] =	vst v63  }
0x1b9: {  	_ = 	snop  }
0x1ba: {  	[hbm4b:s2+s4] =	stream.indirect_vreg.scatter [tilespmem:s1], [sflag:$0x3], $0x80, v3, vm0, $0xb8;
	[tilespmem:$0x18A00] =	vst v63  }
0x1bb: {  	[bflag:$0x0] =	sbarrier.arrive $0xFFFF  }
0x1bc: {  	s9 =	rddreg [dreg:$0xb]  }
0x1bd: {  	[tilespmem:s6], [sflag:$0x4] =	stream.linear.gather [spmem:s9], $0x200, $0x38;
	[tilespmem:$0x18A00] =	vst v63  }
0x1be: {  	_ =	swait.ge [sflag:s15], $0x200  }
0x1bf: {  	[sflag:s15] =	ssyncset.done $0x0  }
0x1c0: {  	s9 =	rddreg [dreg:$0xc];
	[sflag:s15] =	ssyncadd.s32 $0xFFFFFE00  }
0x1c1: {  	[hbm4b:s9+s4] =	stream.linear.scatter [tilespmem:s6], [sflag:$0x4], $0x200, $0x38;
	[tilespmem:$0x18A00] =	vst v63  }
0x1c2: {  	_ =	swait.ge [sflag:s15], $0x200  }
0x1c3: {  	[sflag:s15] =	ssyncset.done $0x0  }
0x1c4: {  	[sflag:s15] =	ssyncadd.s32 $0xFFFFFE00  }
0x1c5: {  	_ =	swait.ge [sflag:s0], $0x8000  }
0x1c6: {  	[sflag:s0] =	ssyncset.done $0x0  }
0x1c7: {  	[sflag:s0] =	ssyncadd.s32 $0xFFFF8000  }
0x1c8: {  	p0 =	sne.s32 s7, $0x1;
	_ =	swait.ge [sflag:s0], $0x8000  }
.Ltmp0:
0x1c9: {  	[sflag:s0] =	ssyncset.done $0x0;
	(pc) =	sbr.rel @p0 .LBB2_1-.Ltmp0, $4  }
0x1ca: {  	[sflag:s0] =	ssyncadd.s32 $0xFFFF8000  }
0x1cb: {  	_ =	swait.ge [sflag:s0], $0x8000  }
0x1cc: {  	[sflag:s0] =	ssyncset.done $0x0  }
0x1cd: {  	s7 =	sadd.s32 $0xFFFFFFFF, s7;
	[sflag:s0] =	ssyncadd.s32 $0xFFFF8000  }
0x1ce: {  	_ =	sfence.sel $0x180000  }
0x1cf: {  	[bflag:$0x0] =	sbarrier.arrive $0xFFFF  }
0x1d0: {  	_ =	strace $0x90000047  }
0x1d1: {  	s0 =	stileid.u32;
	[bflag:$0x2] =	sbarrier.arrive $0xFFFF  }
0x1d2: {  	p0 =	sne.s32 s0, $0x0;
	s0 =	rddreg [dreg:$0x5]  }
0x1d3: {  	s0 =	sadd.s32 @!p0 $0x100000, s0  }
0x1d4: {  	[sflag:s0] =	ssyncadd.tile.s32 @!p0 $0x1;
	_ =	shalt  }
.Lfunc_end2:
_tile_overlayer_lowered:
.L_overlay_start_2:
0x1d5: {  	(tag) =	ssettag $0x2  }
0x1d6: {  	s0 =	rddreg [dreg:$0x0];
	s2 =	stileid.u32  }
0x1d7: {  	s1 =	rddreg [dreg:$0x1];
	p0 =	sne.s32 s2, $0x0  }
0x1d8: {  	s3 =	rddreg [dreg:$0x2];
	[bflag:$0x3] =	sbarrier.arrive $0xFFFF;
	s2 =	simm.s32 @!p0 $0x1C04  }
0x1d9: {  	[timem:s3], [sflag:s2] =	dma.local @!p0 [hbm:s0], s1  }
0x1da: {  	s0 =	simm.s32 @!p0 $0x4  }
0x1db: {  	_ =	swait.ge @!p0 [sflag:s0], s1  }
0x1dc: {  	s1 =	ssub.s32 @!p0 $0x0, s1;
	[sflag:s0] =	ssyncset.done @!p0 $0x0  }
0x1dd: {  	[sflag:s0] =	ssyncadd.s32 @!p0 s1  }
0x1de: {  	[bflag:$0x3] =	sbarrier.arrive $0xFFFF  }
0x1df: {  	_ =	shalt  }

</sc_bundles>
